<compile_context>
chip_gen: v7x
topology: tpu7x:2x2x1
jax: 0.10.2.dev20260603
libtpu: 0.0.44.dev20260713+nightly
codegen_flags: <defaults>
</compile_context>

<pallas_src>
import functools

import jax
import jax.numpy as jnp
from jax import lax
from jax.experimental import pallas as pl
from jax.experimental.pallas import tpu as pltpu
from jax.experimental.pallas import tpu_sc as plsc

N = 10000
D = 256
E = 160000
NP = 10240
EP = 163840
CH = 128
NT = 16
ROWS_PT = NP // NT


def _deg_body(dstr, out_hbm, acc, dst_a, tmp, ones_v, sem):
    del sem
    c = lax.axis_index("c")
    t = lax.axis_index("s")
    w = c * NT + t

    def _fill_zero(i, _):
        tmp[pl.ds(i * 16, 16)] = jnp.zeros((16,), jnp.float32)
        return 0

    lax.fori_loop(0, ROWS_PT // 16, _fill_zero, 0)

    def _fill_one(i, _):
        ones_v[pl.ds(i * 16, 16)] = jnp.ones((16,), jnp.float32)
        return 0

    lax.fori_loop(0, CH // 16, _fill_one, 0)

    pltpu.sync_copy(tmp, acc.at[pl.ds(t * ROWS_PT, ROWS_PT)])
    pltpu.sync_copy(dstr.at[pl.ds(w * 40, 40)], dst_a)
    plsc.subcore_barrier()

    def _scat(j, _):
        pltpu.sync_copy(ones_v, acc.at[dst_a.at[j]], add=True)
        return 0

    lax.fori_loop(0, 40, _scat, 0)
    plsc.subcore_barrier()

    pltpu.sync_copy(acc.at[pl.ds(t * ROWS_PT, ROWS_PT)], tmp)
    pltpu.sync_copy(tmp, out_hbm.at[pl.ds(c * NP + t * ROWS_PT, ROWS_PT)])


def _agg_body(y_hbm, soff_hbm, dstf_hbm, out_hbm, acc, src_b, dst_b, rows,
              sem_g, sem_si, sem_di):
    c = lax.axis_index("c")
    t = lax.axis_index("s")
    NCH = 80

    def _issue_idx(s, k):
        r = lax.rem(k, 4)
        sbase = (s * 2 + c) * EP
        eoff = (t * NCH + k) * CH
        pltpu.async_copy(soff_hbm.at[pl.ds(sbase + eoff, CH)],
                         src_b.at[r], sem_si.at[r])
        pltpu.async_copy(dstf_hbm.at[pl.ds(eoff, CH)], dst_b.at[r],
                         sem_di.at[r])

    def _wait_idx(k):
        r = lax.rem(k, 4)
        pltpu.make_async_copy(soff_hbm.at[pl.ds(0, CH)], src_b.at[r],
                              sem_si.at[r]).wait()
        pltpu.make_async_copy(dstf_hbm.at[pl.ds(0, CH)], dst_b.at[r],
                              sem_di.at[r]).wait()

    def _issue_gather(k):
        r = lax.rem(k, 4)
        rb = lax.rem(k, 2)
        pltpu.async_copy(y_hbm.at[src_b.at[r]], rows.at[rb], sem_g.at[rb])

    def _wait_gather(k):
        r = lax.rem(k, 4)
        rb = lax.rem(k, 2)
        pltpu.make_async_copy(y_hbm.at[src_b.at[r]], rows.at[rb],
                              sem_g.at[rb]).wait()

    for s in range(2):
        pltpu.sync_copy(y_hbm.at[pl.ds(N, CH)], rows.at[0])

        def _zacc(k, _):
            pltpu.sync_copy(rows.at[0], acc.at[pl.ds(t * ROWS_PT + k * CH,
                                                     CH)])
            return 0

        lax.fori_loop(0, ROWS_PT // CH, _zacc, 0)
        plsc.subcore_barrier()

        _issue_idx(s, 0)
        _issue_idx(s, 1)
        _issue_idx(s, 2)
        _wait_idx(0)
        _issue_gather(0)

        def _edge(k, _):
            @pl.when(k + 3 < NCH)
            def _():
                _issue_idx(s, k + 3)

            @pl.when(k + 1 < NCH)
            def _():
                _wait_idx(k + 1)
                _issue_gather(k + 1)

            _wait_gather(k)
            rb = lax.rem(k, 2)
            r = lax.rem(k, 4)
            pltpu.sync_copy(rows.at[rb], acc.at[dst_b.at[r]], add=True)
            return 0

        lax.fori_loop(0, NCH, _edge, 0)
        plsc.subcore_barrier()

        def _flush(k, _):
            pltpu.sync_copy(acc.at[pl.ds(t * ROWS_PT + k * CH, CH)],
                            rows.at[0])
            pltpu.sync_copy(
                rows.at[0],
                out_hbm.at[pl.ds((s * 2 + c) * NP + t * ROWS_PT + k * CH,
                                 CH)])
            return 0

        lax.fori_loop(0, ROWS_PT // CH, _flush, 0)
        plsc.subcore_barrier()


def _scale_body(deg0, deg1, s1, s2, y, dinv):
    i = pl.program_id(0)
    d = deg0[...] + deg1[...] + 1.0
    di = lax.rsqrt(d)
    ridx = lax.broadcasted_iota(jnp.int32, (256, 1), 0) + i * 256
    div = jnp.where(ridx < N, di, 0.0)
    y1 = div * s1[...]
    y2 = div * s2[...]
    y[0] = y1[:, :128]
    y[1] = y1[:, 128:]
    y[2] = y2[:, :128]
    y[3] = y2[:, 128:]
    dinv[...] = div


def _final_body(agg, s1, s2, h3, dinv, maskf, wg, bg, wl, bl, sc1, sc2):
    di = dinv[...]
    a1 = jnp.concatenate([agg[0], agg[1]], axis=1)
    a2 = jnp.concatenate([agg[2], agg[3]], axis=1)
    di2 = di * di
    z1 = di * a1 + di2 * s1[...]
    z2 = di * a2 + di2 * s2[...]
    wgm = wg[...]
    bgv = bg[...]
    g1 = jnp.maximum(jnp.dot(z1, wgm, preferred_element_type=jnp.float32)
                     + bgv, 0.0)
    g2 = jnp.maximum(jnp.dot(z2, wgm, preferred_element_type=jnp.float32)
                     + bgv, 0.0)
    wv = jnp.sum(wl[...], axis=1, keepdims=True)
    bs = jnp.sum(bl[...])
    t1 = jnp.dot(g1, wv, preferred_element_type=jnp.float32) + bs
    t2 = jnp.dot(g2, wv, preferred_element_type=jnp.float32) + bs
    t3 = jnp.dot(h3[...], wv, preferred_element_type=jnp.float32) + bs
    sc1[...] = t1
    sc2[...] = jnp.where(maskf[...] > 0.5, t3, t2)


def kernel(seq1, seq2, h_3, edge_index, W_gcn, b_gcn, W_lin, b_lin):
    src = edge_index[0]
    dst = edge_index[1]
    pad = jnp.full((EP - E,), N, jnp.int32)
    srcp = jnp.concatenate([src, pad])
    dstf = jnp.concatenate([dst, pad])
    dstr2 = dstf.reshape(EP // CH, CH)
    soff = (jnp.arange(4, dtype=jnp.int32)[:, None] * NP
            + srcp[None, :]).reshape(-1)

    mesh = plsc.VectorSubcoreMesh(core_axis_name="c", subcore_axis_name="s")

    deg_call = functools.partial(
        pl.kernel,
        mesh=mesh,
        out_type=jax.ShapeDtypeStruct((2 * NP,), jnp.float32),
        scratch_types=[
            pltpu.VMEM_SHARED((NP,), jnp.float32),
            pltpu.VMEM((40, CH), jnp.int32),
            pltpu.VMEM((ROWS_PT,), jnp.float32),
            pltpu.VMEM((CH,), jnp.float32),
            pltpu.SemaphoreType.DMA,
        ],
    )(_deg_body)
    deg_flat = deg_call(dstr2)
    deg0 = deg_flat[:NP].reshape(NP, 1)
    deg1 = deg_flat[NP:].reshape(NP, 1)

    seq1p = jnp.pad(seq1, ((0, NP - N), (0, 0)))
    seq2p = jnp.pad(seq2, ((0, NP - N), (0, 0)))

    nblk = NP // 256
    y4, dinv = pl.pallas_call(
        _scale_body,
        grid=(nblk,),
        in_specs=[
            pl.BlockSpec((256, 1), lambda i: (i, 0)),
            pl.BlockSpec((256, 1), lambda i: (i, 0)),
            pl.BlockSpec((256, 256), lambda i: (i, 0)),
            pl.BlockSpec((256, 256), lambda i: (i, 0)),
        ],
        out_specs=[
            pl.BlockSpec((4, 256, 128), lambda i: (0, i, 0)),
            pl.BlockSpec((256, 1), lambda i: (i, 0)),
        ],
        out_shape=[
            jax.ShapeDtypeStruct((4, NP, 128), jnp.float32),
            jax.ShapeDtypeStruct((NP, 1), jnp.float32),
        ],
    )(deg0, deg1, seq1p, seq2p)

    yflat = y4.reshape(4 * NP, 128)

    agg_call = functools.partial(
        pl.kernel,
        mesh=mesh,
        out_type=jax.ShapeDtypeStruct((4 * NP, 128), jnp.float32),
        scratch_types=[
            pltpu.VMEM_SHARED((NP, 128), jnp.float32),
            pltpu.VMEM((4, CH), jnp.int32),
            pltpu.VMEM((4, CH), jnp.int32),
            pltpu.VMEM((2, CH, 128), jnp.float32),
            pltpu.SemaphoreType.DMA((2,)),
            pltpu.SemaphoreType.DMA((4,)),
            pltpu.SemaphoreType.DMA((4,)),
        ],
    )(_agg_body)
    agg = agg_call(yflat, soff, dstf).reshape(4, NP, 128)

    maskf = (jax.random.uniform(jax.random.key(42), (N,), dtype=jnp.float32)
             > 0.5).astype(jnp.float32)
    maskp = jnp.pad(maskf, (0, NP - N)).reshape(NP, 1)
    h3p = jnp.pad(h_3, ((0, NP - N), (0, 0)))

    sc1, sc2 = pl.pallas_call(
        _final_body,
        grid=(nblk,),
        in_specs=[
            pl.BlockSpec((4, 256, 128), lambda i: (0, i, 0)),
            pl.BlockSpec((256, 256), lambda i: (i, 0)),
            pl.BlockSpec((256, 256), lambda i: (i, 0)),
            pl.BlockSpec((256, 256), lambda i: (i, 0)),
            pl.BlockSpec((256, 1), lambda i: (i, 0)),
            pl.BlockSpec((256, 1), lambda i: (i, 0)),
            pl.BlockSpec((256, 256), lambda i: (0, 0)),
            pl.BlockSpec((1, 256), lambda i: (0, 0)),
            pl.BlockSpec((256, 256), lambda i: (0, 0)),
            pl.BlockSpec((1, 256), lambda i: (0, 0)),
        ],
        out_specs=[
            pl.BlockSpec((256, 1), lambda i: (i, 0)),
            pl.BlockSpec((256, 1), lambda i: (i, 0)),
        ],
        out_shape=[
            jax.ShapeDtypeStruct((NP, 1), jnp.float32),
            jax.ShapeDtypeStruct((NP, 1), jnp.float32),
        ],
    )(agg, seq1p, seq2p, h3p, dinv, maskp, W_gcn,
      b_gcn.reshape(1, D), W_lin, b_lin.reshape(1, D))

    return jnp.concatenate([sc1[:N, 0], sc2[:N, 0]])

# --- scband reference (transcript-rebuilt; emitter-appended) ---
"""Pipeline reference for scband-ggd-16819091931357 (READ-ONLY COPY).

The authoritative reference and input builder live on the scoring server;
editing this copy changes nothing except your own understanding.
"""

import jax, jax.numpy as jnp
import numpy as np

N = 10000
D_IN = 256
D_H = 256
E = 160000


def setup_inputs(seed: int = 0) -> dict:
    key = jax.random.key(seed)
    ks = jax.random.split(key, 8)
    seq1 = jax.random.normal(ks[0], (N, D_IN), dtype=jnp.float32)
    seq2 = jax.random.normal(ks[1], (N, D_IN), dtype=jnp.float32)
    h_3 = jax.random.normal(ks[2], (N, D_H), dtype=jnp.float32)
    edge_index = jax.random.randint(ks[3], (2, E), 0, N, dtype=jnp.int32)
    sg = 1.0 / np.sqrt(D_IN)
    W_gcn = jax.random.uniform(ks[4], (D_IN, D_H), dtype=jnp.float32, minval=-sg, maxval=sg)
    b_gcn = jnp.zeros((D_H,), dtype=jnp.float32)
    sl = 1.0 / np.sqrt(D_H)
    W_lin = jax.random.uniform(ks[5], (D_H, D_H), dtype=jnp.float32, minval=-sl, maxval=sl)
    b_lin = jax.random.uniform(ks[6], (D_H,), dtype=jnp.float32, minval=-sl, maxval=sl)
    return {"seq1": seq1, "seq2": seq2, "h_3": h_3, "edge_index": edge_index,
            "W_gcn": W_gcn, "b_gcn": b_gcn, "W_lin": W_lin, "b_lin": b_lin}


def _gcn_conv(x, edge_index, W, b):
    # GCNConv: add self-loops, symmetric normalization, scatter-add aggregation
    src = edge_index[0]
    dst = edge_index[1]
    loops = jnp.arange(N, dtype=src.dtype)
    src = jnp.concatenate([src, loops])
    dst = jnp.concatenate([dst, loops])
    h = x @ W
    deg = jnp.zeros((N,), dtype=jnp.float32).at[dst].add(1.0)
    dinv = jnp.where(deg > 0, 1.0 / jnp.sqrt(deg), 0.0)
    norm = dinv[src] * dinv[dst]
    msg = h[src] * norm[:, None]
    out = jnp.zeros((N, W.shape[1]), dtype=jnp.float32).at[dst].add(msg)
    return out + b


def reference(seq1, seq2, h_3, edge_index, W_gcn, b_gcn, W_lin, b_lin):
    h_1 = jax.nn.relu(_gcn_conv(seq1, edge_index, W_gcn, b_gcn))
    h_2 = jax.nn.relu(_gcn_conv(seq2, edge_index, W_gcn, b_gcn))
    # torch.rand(N) > 0.5 row-swap with h_3 (fixed key for determinism in jax)
    s = jax.random.uniform(jax.random.key(42), (N,), dtype=jnp.float32)
    mask = s > 0.5
    h_2 = jnp.where(mask[:, None], h_3, h_2)
    sc_1 = (h_1 @ W_lin + b_lin).sum(1)
    sc_2 = (h_2 @ W_lin + b_lin).sum(1)
    logits = jnp.concatenate([sc_1, sc_2])
    return logits

if __name__ == "__main__":
    import jax
    _d = setup_inputs()
    print(jax.jit(kernel)(*tuple(_d.values())))

</pallas_src>

<mosaic_0001>
#map = affine_map<(d0, d1) -> (0, 0)>
#map1 = affine_map<(d0, d1) -> (0)>
module attributes {stable_mosaic.version = 14 : i64} {
  func.func @_deg_body(%arg0: i32, %arg1: i32, %arg2: memref<1280x128xi32, #tpu.memory_space<hbm>>, %arg3: memref<20480xf32, #tpu.memory_space<hbm>>, %arg4: memref<10240xf32, #tpu.memory_space<vmem_shared>>, %arg5: memref<40x128xi32, #tpu.memory_space<vmem>>, %arg6: memref<640xf32, #tpu.memory_space<vmem>>, %arg7: memref<128xf32, #tpu.memory_space<vmem>>, %arg8: memref<!tpu.dma_semaphore, #tpu.memory_space<semaphore_mem>>) attributes {dimension_semantics = [#tpu.dimension_semantics<core_parallel>, #tpu.dimension_semantics<subcore_parallel>], iteration_bounds = array<i64: 2, 16>, scalar_prefetch = 0 : i64, scratch_operands = 5 : i64, tpu.core_type = #tpu.core_type<sc_vector_subcore>, window_params = [{transform_indices = #map}, {transform_indices = #map1}]} {
    %mul3A = arith.constant 16 : i32
    %mul3A_0 = arith.muli %arg0, %mul3A : i32
    %add3A = arith.addi %mul3A_0, %arg1 : i32
    %scan3A = arith.constant 0 : i32
    %scan3A_1 = arith.constant 0 : i32
    %scan3A_2 = arith.constant 40 : i32
    %scan3A_3 = arith.addi %scan3A_1, %scan3A_2 : i32
    %scan3A_4 = arith.constant 1 : i32
    %scan3A_5 = scf.for %scan3A_33 = %scan3A_1 to %scan3A_3 step %scan3A_4 iter_args(%scan3A_34 = %scan3A) -> (i32)  : i32 {
      %broadcast_in_dim3A = arith.constant 0.000000e+00 : f32
      %broadcast_in_dim3A_35 = vector.broadcast %broadcast_in_dim3A : f32 to vector<16xf32>
      %mul3A_36 = arith.constant 16 : i32
      %mul3A_37 = arith.muli %scan3A_33, %mul3A_36 : i32
      %swap3A = arith.index_cast %mul3A_37 : i32 to index
      %swap3A_38 = tpu.vector_load %arg6[%swap3A] {strides = array<i32>} : memref<640xf32, #tpu.memory_space<vmem>>, vector<16xf32>,
      %swap3A_39 = vector.shape_cast %swap3A_38 : vector<16xf32> to vector<16xf32>
      %swap3A_40 = vector.shape_cast %broadcast_in_dim3A_35 : vector<16xf32> to vector<16xf32>
      tpu.vector_store %arg6[%swap3A], %swap3A_40 {strides = array<i32>} : memref<640xf32, #tpu.memory_space<vmem>>, vector<16xf32>,
      %scan3A_41 = arith.constant 0 : i32
      scf.yield %scan3A_41 : i32
    }
    %scan3A_6 = arith.constant 40 : i32
    %scan3A_7 = arith.constant 0 : i32
    %scan3A_8 = arith.constant 0 : i32
    %scan3A_9 = arith.constant 8 : i32
    %scan3A_10 = arith.addi %scan3A_8, %scan3A_9 : i32
    %scan3A_11 = arith.constant 1 : i32
    %scan3A_12 = scf.for %scan3A_33 = %scan3A_8 to %scan3A_10 step %scan3A_11 iter_args(%scan3A_34 = %scan3A_7) -> (i32)  : i32 {
      %broadcast_in_dim3A = arith.constant 1.000000e+00 : f32
      %broadcast_in_dim3A_35 = vector.broadcast %broadcast_in_dim3A : f32 to vector<16xf32>
      %mul3A_36 = arith.constant 16 : i32
      %mul3A_37 = arith.muli %scan3A_33, %mul3A_36 : i32
      %swap3A = arith.index_cast %mul3A_37 : i32 to index
      %swap3A_38 = tpu.vector_load %arg7[%swap3A] {strides = array<i32>} : memref<128xf32, #tpu.memory_space<vmem>>, vector<16xf32>,
      %swap3A_39 = vector.shape_cast %swap3A_38 : vector<16xf32> to vector<16xf32>
      %swap3A_40 = vector.shape_cast %broadcast_in_dim3A_35 : vector<16xf32> to vector<16xf32>
      tpu.vector_store %arg7[%swap3A], %swap3A_40 {strides = array<i32>} : memref<128xf32, #tpu.memory_space<vmem>>, vector<16xf32>,
      %scan3A_41 = arith.constant 0 : i32
      scf.yield %scan3A_41 : i32
    }
    %scan3A_13 = arith.constant 8 : i32
    %mul3A_14 = arith.constant 640 : i32
    %mul3A_15 = arith.muli %arg1, %mul3A_14 : i32
    "tpu.region"() ({
      %run_scoped3A = tpu.sem_alloc : memref<!tpu.dma_semaphore, #tpu.memory_space<semaphore_mem>>
      %dma_start3A = tpu.memref_slice %arg4[%mul3A_15] : memref<10240xf32, #tpu.memory_space<vmem_shared>> -> memref<640xf32, #tpu.memory_space<vmem_shared>>
      %dma_start3A_33 = tpu.memref_slice %arg4[%mul3A_15] : memref<10240xf32, #tpu.memory_space<vmem_shared>> -> memref<640xf32, #tpu.memory_space<vmem_shared>>
      tpu.enqueue_dma source(%arg6 : memref<640xf32, #tpu.memory_space<vmem>>) target(%dma_start3A_33 : memref<640xf32, #tpu.memory_space<vmem_shared>>) target_semaphore(%run_scoped3A : memref<!tpu.dma_semaphore, #tpu.memory_space<semaphore_mem>>)
      %dma_wait3A = tpu.memref_slice %arg4[%mul3A_15] : memref<10240xf32, #tpu.memory_space<vmem_shared>> -> memref<640xf32, #tpu.memory_space<vmem_shared>>
      %dma_wait3A_34 = tpu.memref_slice %arg4[%mul3A_15] : memref<10240xf32, #tpu.memory_space<vmem_shared>> -> memref<640xf32, #tpu.memory_space<vmem_shared>>
      tpu.wait_dma2 semaphore(%run_scoped3A : memref<!tpu.dma_semaphore, #tpu.memory_space<semaphore_mem>>) src(%arg6 : memref<640xf32, #tpu.memory_space<vmem>>) dst(%dma_wait3A_34 : memref<640xf32, #tpu.memory_space<vmem_shared>>)
      tpu.yield
    }) : () -> ()
    %mul3A_16 = arith.constant 40 : i32
    %mul3A_17 = arith.muli %add3A, %mul3A_16 : i32
    "tpu.region"() ({
      %run_scoped3A = tpu.sem_alloc : memref<!tpu.dma_semaphore, #tpu.memory_space<semaphore_mem>>
      %dma_start3A = arith.constant 0 : i32
      %dma_start3A_33 = tpu.memref_slice %arg2[%mul3A_17, %dma_start3A] : memref<1280x128xi32, #tpu.memory_space<hbm>> -> memref<40x128xi32, #tpu.memory_space<hbm>>
      %dma_start3A_34 = arith.constant 0 : i32
      %dma_start3A_35 = tpu.memref_slice %arg2[%mul3A_17, %dma_start3A_34] : memref<1280x128xi32, #tpu.memory_space<hbm>> -> memref<40x128xi32, #tpu.memory_space<hbm>>
      tpu.enqueue_dma source(%dma_start3A_35 : memref<40x128xi32, #tpu.memory_space<hbm>>) target(%arg5 : memref<40x128xi32, #tpu.memory_space<vmem>>) target_semaphore(%run_scoped3A : memref<!tpu.dma_semaphore, #tpu.memory_space<semaphore_mem>>)
      %dma_wait3A = arith.constant 0 : i32
      %dma_wait3A_36 = tpu.memref_slice %arg2[%mul3A_17, %dma_wait3A] : memref<1280x128xi32, #tpu.memory_space<hbm>> -> memref<40x128xi32, #tpu.memory_space<hbm>>
      %dma_wait3A_37 = arith.constant 0 : i32
      %dma_wait3A_38 = tpu.memref_slice %arg2[%mul3A_17, %dma_wait3A_37] : memref<1280x128xi32, #tpu.memory_space<hbm>> -> memref<40x128xi32, #tpu.memory_space<hbm>>
      tpu.wait_dma2 semaphore(%run_scoped3A : memref<!tpu.dma_semaphore, #tpu.memory_space<semaphore_mem>>) src(%dma_wait3A_38 : memref<40x128xi32, #tpu.memory_space<hbm>>) dst(%arg5 : memref<40x128xi32, #tpu.memory_space<vmem>>)
      tpu.yield
    }) : () -> ()
    %barrier3A = arith.constant 0 : index
    tpu.barrier barrier_id(%barrier3A)
    %scan3A_18 = arith.constant 0 : i32
    %scan3A_19 = arith.constant 0 : i32
    %scan3A_20 = arith.constant 40 : i32
    %scan3A_21 = arith.addi %scan3A_19, %scan3A_20 : i32
    %scan3A_22 = arith.constant 1 : i32
    %scan3A_23 = scf.for %scan3A_33 = %scan3A_19 to %scan3A_21 step %scan3A_22 iter_args(%scan3A_34 = %scan3A_18) -> (i32)  : i32 {
      "tpu.region"() ({
        %run_scoped3A = tpu.sem_alloc : memref<!tpu.dma_semaphore, #tpu.memory_space<semaphore_mem>>
        %dma_start3A = arith.constant 0 : i32
        %dma_start3A_36 = tpu.memref_slice %arg5[%scan3A_33, %dma_start3A] : memref<40x128xi32, #tpu.memory_space<vmem>> -> memref<1x128xi32, #tpu.memory_space<vmem>>
        %dma_start3A_37 = tpu.memref_squeeze %dma_start3A_36 : memref<1x128xi32, #tpu.memory_space<vmem>> -> memref<128xi32, #tpu.memory_space<vmem>>
        %dma_start3A_38 = arith.constant 0 : i32
        %dma_start3A_39 = tpu.memref_slice %arg4[%dma_start3A_38] : memref<10240xf32, #tpu.memory_space<vmem_shared>> -> memref<10240xf32, #tpu.memory_space<vmem_shared>>
        tpu.enqueue_indirect_dma source(%arg7 : memref<128xf32, #tpu.memory_space<vmem>>) target(%dma_start3A_39 : memref<10240xf32, #tpu.memory_space<vmem_shared>>) offsets(%dma_start3A_37 : memref<128xi32, #tpu.memory_space<vmem>>) semaphore(%run_scoped3A : memref<!tpu.dma_semaphore, #tpu.memory_space<semaphore_mem>>) {add = true}
        %dma_wait3A = arith.constant 0 : i32
        %dma_wait3A_40 = tpu.memref_slice %arg5[%scan3A_33, %dma_wait3A] : memref<40x128xi32, #tpu.memory_space<vmem>> -> memref<1x128xi32, #tpu.memory_space<vmem>>
        %dma_wait3A_41 = tpu.memref_squeeze %dma_wait3A_40 : memref<1x128xi32, #tpu.memory_space<vmem>> -> memref<128xi32, #tpu.memory_space<vmem>>
        %dma_wait3A_42 = arith.constant 0 : i32
        %dma_wait3A_43 = tpu.memref_slice %arg4[%dma_wait3A_42] : memref<10240xf32, #tpu.memory_space<vmem_shared>> -> memref<10240xf32, #tpu.memory_space<vmem_shared>>
        tpu.wait_indirect_dma semaphore(%run_scoped3A : memref<!tpu.dma_semaphore, #tpu.memory_space<semaphore_mem>>) src(%arg7 : memref<128xf32, #tpu.memory_space<vmem>>) dst(%dma_wait3A_43 : memref<10240xf32, #tpu.memory_space<vmem_shared>>)
        tpu.yield
      }) : () -> ()
      %scan3A_35 = arith.constant 0 : i32
      scf.yield %scan3A_35 : i32
    }
    %scan3A_24 = arith.constant 40 : i32
    %barrier3A_25 = arith.constant 0 : index
    tpu.barrier barrier_id(%barrier3A_25)
    %mul3A_26 = arith.constant 640 : i32
    %mul3A_27 = arith.muli %arg1, %mul3A_26 : i32
    "tpu.region"() ({
      %run_scoped3A = tpu.sem_alloc : memref<!tpu.dma_semaphore, #tpu.memory_space<semaphore_mem>>
      %dma_start3A = tpu.memref_slice %arg4[%mul3A_27] : memref<10240xf32, #tpu.memory_space<vmem_shared>> -> memref<640xf32, #tpu.memory_space<vmem_shared>>
      %dma_start3A_33 = tpu.memref_slice %arg4[%mul3A_27] : memref<10240xf32, #tpu.memory_space<vmem_shared>> -> memref<640xf32, #tpu.memory_space<vmem_shared>>
      tpu.enqueue_dma source(%dma_start3A_33 : memref<640xf32, #tpu.memory_space<vmem_shared>>) target(%arg6 : memref<640xf32, #tpu.memory_space<vmem>>) target_semaphore(%run_scoped3A : memref<!tpu.dma_semaphore, #tpu.memory_space<semaphore_mem>>)
      %dma_wait3A = tpu.memref_slice %arg4[%mul3A_27] : memref<10240xf32, #tpu.memory_space<vmem_shared>> -> memref<640xf32, #tpu.memory_space<vmem_shared>>
      %dma_wait3A_34 = tpu.memref_slice %arg4[%mul3A_27] : memref<10240xf32, #tpu.memory_space<vmem_shared>> -> memref<640xf32, #tpu.memory_space<vmem_shared>>
      tpu.wait_dma2 semaphore(%run_scoped3A : memref<!tpu.dma_semaphore, #tpu.memory_space<semaphore_mem>>) src(%dma_wait3A_34 : memref<640xf32, #tpu.memory_space<vmem_shared>>) dst(%arg6 : memref<640xf32, #tpu.memory_space<vmem>>)
      tpu.yield
    }) : () -> ()
    %mul3A_28 = arith.constant 10240 : i32
    %mul3A_29 = arith.muli %arg0, %mul3A_28 : i32
    %mul3A_30 = arith.constant 640 : i32
    %mul3A_31 = arith.muli %arg1, %mul3A_30 : i32
    %add3A_32 = arith.addi %mul3A_29, %mul3A_31 : i32
    "tpu.region"() ({
      %run_scoped3A = tpu.sem_alloc : memref<!tpu.dma_semaphore, #tpu.memory_space<semaphore_mem>>
      %dma_start3A = tpu.memref_slice %arg3[%add3A_32] : memref<20480xf32, #tpu.memory_space<hbm>> -> memref<640xf32, #tpu.memory_space<hbm>>
      %dma_start3A_33 = tpu.memref_slice %arg3[%add3A_32] : memref<20480xf32, #tpu.memory_space<hbm>> -> memref<640xf32, #tpu.memory_space<hbm>>
      tpu.enqueue_dma source(%arg6 : memref<640xf32, #tpu.memory_space<vmem>>) target(%dma_start3A_33 : memref<640xf32, #tpu.memory_space<hbm>>) target_semaphore(%run_scoped3A : memref<!tpu.dma_semaphore, #tpu.memory_space<semaphore_mem>>)
      %dma_wait3A = tpu.memref_slice %arg3[%add3A_32] : memref<20480xf32, #tpu.memory_space<hbm>> -> memref<640xf32, #tpu.memory_space<hbm>>
      %dma_wait3A_34 = tpu.memref_slice %arg3[%add3A_32] : memref<20480xf32, #tpu.memory_space<hbm>> -> memref<640xf32, #tpu.memory_space<hbm>>
      tpu.wait_dma2 semaphore(%run_scoped3A : memref<!tpu.dma_semaphore, #tpu.memory_space<semaphore_mem>>) src(%arg6 : memref<640xf32, #tpu.memory_space<vmem>>) dst(%dma_wait3A_34 : memref<640xf32, #tpu.memory_space<hbm>>)
      tpu.yield
    }) : () -> ()
    return
  }
}

#map = affine_map<(d0, d1) -> (0, 0)>
#map1 = affine_map<(d0, d1) -> (0)>
module attributes {stable_mosaic.version = 14 : i64} {
  func.func @_agg_body(%arg0: i32, %arg1: i32, %arg2: memref<40960x128xf32, #tpu.memory_space<hbm>>, %arg3: memref<655360xi32, #tpu.memory_space<hbm>>, %arg4: memref<163840xi32, #tpu.memory_space<hbm>>, %arg5: memref<40960x128xf32, #tpu.memory_space<hbm>>, %arg6: memref<10240x128xf32, #tpu.memory_space<vmem_shared>>, %arg7: memref<4x128xi32, #tpu.memory_space<vmem>>, %arg8: memref<4x128xi32, #tpu.memory_space<vmem>>, %arg9: memref<2x128x128xf32, #tpu.memory_space<vmem>>, %arg10: memref<2x!tpu.dma_semaphore, #tpu.memory_space<semaphore_mem>>, %arg11: memref<4x!tpu.dma_semaphore, #tpu.memory_space<semaphore_mem>>, %arg12: memref<4x!tpu.dma_semaphore, #tpu.memory_space<semaphore_mem>>) attributes {dimension_semantics = [#tpu.dimension_semantics<core_parallel>, #tpu.dimension_semantics<subcore_parallel>], iteration_bounds = array<i64: 2, 16>, scalar_prefetch = 0 : i64, scratch_operands = 7 : i64, tpu.core_type = #tpu.core_type<sc_vector_subcore>, window_params = [{transform_indices = #map}, {transform_indices = #map1}, {transform_indices = #map1}, {transform_indices = #map}]} {
    %run_scoped3A = arith.constant 0 : i32
    "tpu.region"() ({
      %run_scoped3A_336 = tpu.sem_alloc : memref<!tpu.dma_semaphore, #tpu.memory_space<semaphore_mem>>
      %dma_start3A_337 = arith.constant 0 : i32
      %dma_start3A_338 = arith.constant 0 : i32
      %dma_start3A_339 = tpu.memref_slice %arg9[%run_scoped3A, %dma_start3A_337, %dma_start3A_338] : memref<2x128x128xf32, #tpu.memory_space<vmem>> -> memref<1x128x128xf32, #tpu.memory_space<vmem>>
      %dma_start3A_340 = tpu.memref_squeeze %dma_start3A_339 : memref<1x128x128xf32, #tpu.memory_space<vmem>> -> memref<128x128xf32, #tpu.memory_space<vmem>>
      %dma_start3A_341 = arith.constant 10000 : i32
      %dma_start3A_342 = arith.constant 0 : i32
      %dma_start3A_343 = tpu.memref_slice %arg2[%dma_start3A_341, %dma_start3A_342] : memref<40960x128xf32, #tpu.memory_space<hbm>> -> memref<128x128xf32, #tpu.memory_space<hbm>>
      %dma_start3A_344 = arith.constant 0 : i32
      %dma_start3A_345 = arith.constant 0 : i32
      %dma_start3A_346 = tpu.memref_slice %arg9[%run_scoped3A, %dma_start3A_344, %dma_start3A_345] : memref<2x128x128xf32, #tpu.memory_space<vmem>> -> memref<1x128x128xf32, #tpu.memory_space<vmem>>
      %dma_start3A_347 = tpu.memref_squeeze %dma_start3A_346 : memref<1x128x128xf32, #tpu.memory_space<vmem>> -> memref<128x128xf32, #tpu.memory_space<vmem>>
      %dma_start3A_348 = arith.constant 10000 : i32
      %dma_start3A_349 = arith.constant 0 : i32
      %dma_start3A_350 = tpu.memref_slice %arg2[%dma_start3A_348, %dma_start3A_349] : memref<40960x128xf32, #tpu.memory_space<hbm>> -> memref<128x128xf32, #tpu.memory_space<hbm>>
      tpu.enqueue_dma source(%dma_start3A_350 : memref<128x128xf32, #tpu.memory_space<hbm>>) target(%dma_start3A_347 : memref<128x128xf32, #tpu.memory_space<vmem>>) target_semaphore(%run_scoped3A_336 : memref<!tpu.dma_semaphore, #tpu.memory_space<semaphore_mem>>)
      %dma_wait3A_351 = arith.constant 0 : i32
      %dma_wait3A_352 = arith.constant 0 : i32
      %dma_wait3A_353 = tpu.memref_slice %arg9[%run_scoped3A, %dma_wait3A_351, %dma_wait3A_352] : memref<2x128x128xf32, #tpu.memory_space<vmem>> -> memref<1x128x128xf32, #tpu.memory_space<vmem>>
      %dma_wait3A_354 = tpu.memref_squeeze %dma_wait3A_353 : memref<1x128x128xf32, #tpu.memory_space<vmem>> -> memref<128x128xf32, #tpu.memory_space<vmem>>
      %dma_wait3A_355 = arith.constant 10000 : i32
      %dma_wait3A_356 = arith.constant 0 : i32
      %dma_wait3A_357 = tpu.memref_slice %arg2[%dma_wait3A_355, %dma_wait3A_356] : memref<40960x128xf32, #tpu.memory_space<hbm>> -> memref<128x128xf32, #tpu.memory_space<hbm>>
      %dma_wait3A_358 = arith.constant 0 : i32
      %dma_wait3A_359 = arith.constant 0 : i32
      %dma_wait3A_360 = tpu.memref_slice %arg9[%run_scoped3A, %dma_wait3A_358, %dma_wait3A_359] : memref<2x128x128xf32, #tpu.memory_space<vmem>> -> memref<1x128x128xf32, #tpu.memory_space<vmem>>
      %dma_wait3A_361 = tpu.memref_squeeze %dma_wait3A_360 : memref<1x128x128xf32, #tpu.memory_space<vmem>> -> memref<128x128xf32, #tpu.memory_space<vmem>>
      %dma_wait3A_362 = arith.constant 10000 : i32
      %dma_wait3A_363 = arith.constant 0 : i32
      %dma_wait3A_364 = tpu.memref_slice %arg2[%dma_wait3A_362, %dma_wait3A_363] : memref<40960x128xf32, #tpu.memory_space<hbm>> -> memref<128x128xf32, #tpu.memory_space<hbm>>
      tpu.wait_dma2 semaphore(%run_scoped3A_336 : memref<!tpu.dma_semaphore, #tpu.memory_space<semaphore_mem>>) src(%dma_wait3A_364 : memref<128x128xf32, #tpu.memory_space<hbm>>) dst(%dma_wait3A_361 : memref<128x128xf32, #tpu.memory_space<vmem>>)
      tpu.yield
    }) : () -> ()
    %scan3A = arith.constant 0 : i32
    %scan3A_0 = arith.constant 0 : i32
    %scan3A_1 = arith.constant 5 : i32
    %scan3A_2 = arith.addi %scan3A_0, %scan3A_1 : i32
    %scan3A_3 = arith.constant 1 : i32
    %scan3A_4 = scf.for %scan3A_336 = %scan3A_0 to %scan3A_2 step %scan3A_3 iter_args(%scan3A_337 = %scan3A) -> (i32)  : i32 {
      %mul3A_338 = arith.constant 640 : i32
      %mul3A_339 = arith.muli %arg1, %mul3A_338 : i32
      %mul3A_340 = arith.constant 128 : i32
      %mul3A_341 = arith.muli %scan3A_336, %mul3A_340 : i32
      %add3A_342 = arith.addi %mul3A_339, %mul3A_341 : i32
      %run_scoped3A_343 = arith.constant 0 : i32
      "tpu.region"() ({
        %run_scoped3A_345 = tpu.sem_alloc : memref<!tpu.dma_semaphore, #tpu.memory_space<semaphore_mem>>
        %dma_start3A_346 = arith.constant 0 : i32
        %dma_start3A_347 = arith.constant 0 : i32
        %dma_start3A_348 = tpu.memref_slice %arg9[%run_scoped3A_343, %dma_start3A_346, %dma_start3A_347] : memref<2x128x128xf32, #tpu.memory_space<vmem>> -> memref<1x128x128xf32, #tpu.memory_space<vmem>>
        %dma_start3A_349 = tpu.memref_squeeze %dma_start3A_348 : memref<1x128x128xf32, #tpu.memory_space<vmem>> -> memref<128x128xf32, #tpu.memory_space<vmem>>
        %dma_start3A_350 = arith.constant 0 : i32
        %dma_start3A_351 = tpu.memref_slice %arg6[%add3A_342, %dma_start3A_350] : memref<10240x128xf32, #tpu.memory_space<vmem_shared>> -> memref<128x128xf32, #tpu.memory_space<vmem_shared>>
        %dma_start3A_352 = arith.constant 0 : i32
        %dma_start3A_353 = tpu.memref_slice %arg6[%add3A_342, %dma_start3A_352] : memref<10240x128xf32, #tpu.memory_space<vmem_shared>> -> memref<128x128xf32, #tpu.memory_space<vmem_shared>>
        %dma_start3A_354 = arith.constant 0 : i32
        %dma_start3A_355 = arith.constant 0 : i32
        %dma_start3A_356 = tpu.memref_slice %arg9[%run_scoped3A_343, %dma_start3A_354, %dma_start3A_355] : memref<2x128x128xf32, #tpu.memory_space<vmem>> -> memref<1x128x128xf32, #tpu.memory_space<vmem>>
        %dma_start3A_357 = tpu.memref_squeeze %dma_start3A_356 : memref<1x128x128xf32, #tpu.memory_space<vmem>> -> memref<128x128xf32, #tpu.memory_space<vmem>>
        tpu.enqueue_dma source(%dma_start3A_357 : memref<128x128xf32, #tpu.memory_space<vmem>>) target(%dma_start3A_353 : memref<128x128xf32, #tpu.memory_space<vmem_shared>>) target_semaphore(%run_scoped3A_345 : memref<!tpu.dma_semaphore, #tpu.memory_space<semaphore_mem>>)
        %dma_wait3A_358 = arith.constant 0 : i32
        %dma_wait3A_359 = arith.constant 0 : i32
        %dma_wait3A_360 = tpu.memref_slice %arg9[%run_scoped3A_343, %dma_wait3A_358, %dma_wait3A_359] : memref<2x128x128xf32, #tpu.memory_space<vmem>> -> memref<1x128x128xf32, #tpu.memory_space<vmem>>
        %dma_wait3A_361 = tpu.memref_squeeze %dma_wait3A_360 : memref<1x128x128xf32, #tpu.memory_space<vmem>> -> memref<128x128xf32, #tpu.memory_space<vmem>>
        %dma_wait3A_362 = arith.constant 0 : i32
        %dma_wait3A_363 = tpu.memref_slice %arg6[%add3A_342, %dma_wait3A_362] : memref<10240x128xf32, #tpu.memory_space<vmem_shared>> -> memref<128x128xf32, #tpu.memory_space<vmem_shared>>
        %dma_wait3A_364 = arith.constant 0 : i32
        %dma_wait3A_365 = tpu.memref_slice %arg6[%add3A_342, %dma_wait3A_364] : memref<10240x128xf32, #tpu.memory_space<vmem_shared>> -> memref<128x128xf32, #tpu.memory_space<vmem_shared>>
        %dma_wait3A_366 = arith.constant 0 : i32
        %dma_wait3A_367 = arith.constant 0 : i32
        %dma_wait3A_368 = tpu.memref_slice %arg9[%run_scoped3A_343, %dma_wait3A_366, %dma_wait3A_367] : memref<2x128x128xf32, #tpu.memory_space<vmem>> -> memref<1x128x128xf32, #tpu.memory_space<vmem>>
        %dma_wait3A_369 = tpu.memref_squeeze %dma_wait3A_368 : memref<1x128x128xf32, #tpu.memory_space<vmem>> -> memref<128x128xf32, #tpu.memory_space<vmem>>
        tpu.wait_dma2 semaphore(%run_scoped3A_345 : memref<!tpu.dma_semaphore, #tpu.memory_space<semaphore_mem>>) src(%dma_wait3A_369 : memref<128x128xf32, #tpu.memory_space<vmem>>) dst(%dma_wait3A_365 : memref<128x128xf32, #tpu.memory_space<vmem_shared>>)
        tpu.yield
      }) : () -> ()
      %scan3A_344 = arith.constant 0 : i32
      scf.yield %scan3A_344 : i32
    }
    %scan3A_5 = arith.constant 5 : i32
    %barrier3A = arith.constant 0 : index
    tpu.barrier barrier_id(%barrier3A)
    %rem3A = arith.constant 0 : i32
    %rem3A_6 = arith.constant 4 : i32
    %rem3A_7 = arith.remsi %rem3A, %rem3A_6 : i32
    %add3A = arith.constant 0 : i32
    %add3A_8 = arith.addi %add3A, %arg0 : i32
    %mul3A = arith.constant 163840 : i32
    %mul3A_9 = arith.muli %add3A_8, %mul3A : i32
    %mul3A_10 = arith.constant 80 : i32
    %mul3A_11 = arith.muli %arg1, %mul3A_10 : i32
    %add3A_12 = arith.constant 0 : i32
    %add3A_13 = arith.addi %mul3A_11, %add3A_12 : i32
    %mul3A_14 = arith.constant 128 : i32
    %mul3A_15 = arith.muli %add3A_13, %mul3A_14 : i32
    %add3A_16 = arith.addi %mul3A_9, %mul3A_15 : i32
    %dma_start3A = arith.constant 0 : i32
    %dma_start3A_17 = tpu.memref_slice %arg7[%rem3A_7, %dma_start3A] : memref<4x128xi32, #tpu.memory_space<vmem>> -> memref<1x128xi32, #tpu.memory_space<vmem>>
    %dma_start3A_18 = tpu.memref_squeeze %dma_start3A_17 : memref<1x128xi32, #tpu.memory_space<vmem>> -> memref<128xi32, #tpu.memory_space<vmem>>
    %dma_start3A_19 = tpu.memref_slice %arg3[%add3A_16] : memref<655360xi32, #tpu.memory_space<hbm>> -> memref<128xi32, #tpu.memory_space<hbm>>
    %dma_start3A_20 = tpu.memref_slice %arg11[%rem3A_7] : memref<4x!tpu.dma_semaphore, #tpu.memory_space<semaphore_mem>> -> memref<1x!tpu.dma_semaphore, #tpu.memory_space<semaphore_mem>>
    %dma_start3A_21 = tpu.memref_squeeze %dma_start3A_20 : memref<1x!tpu.dma_semaphore, #tpu.memory_space<semaphore_mem>> -> memref<!tpu.dma_semaphore, #tpu.memory_space<semaphore_mem>>
    %dma_start3A_22 = arith.constant 0 : i32
    %dma_start3A_23 = tpu.memref_slice %arg7[%rem3A_7, %dma_start3A_22] : memref<4x128xi32, #tpu.memory_space<vmem>> -> memref<1x128xi32, #tpu.memory_space<vmem>>
    %dma_start3A_24 = tpu.memref_squeeze %dma_start3A_23 : memref<1x128xi32, #tpu.memory_space<vmem>> -> memref<128xi32, #tpu.memory_space<vmem>>
    %dma_start3A_25 = tpu.memref_slice %arg3[%add3A_16] : memref<655360xi32, #tpu.memory_space<hbm>> -> memref<128xi32, #tpu.memory_space<hbm>>
    tpu.enqueue_dma source(%dma_start3A_25 : memref<128xi32, #tpu.memory_space<hbm>>) target(%dma_start3A_24 : memref<128xi32, #tpu.memory_space<vmem>>) target_semaphore(%dma_start3A_21 : memref<!tpu.dma_semaphore, #tpu.memory_space<semaphore_mem>>)
    %dma_start3A_26 = arith.constant 0 : i32
    %dma_start3A_27 = tpu.memref_slice %arg8[%rem3A_7, %dma_start3A_26] : memref<4x128xi32, #tpu.memory_space<vmem>> -> memref<1x128xi32, #tpu.memory_space<vmem>>
    %dma_start3A_28 = tpu.memref_squeeze %dma_start3A_27 : memref<1x128xi32, #tpu.memory_space<vmem>> -> memref<128xi32, #tpu.memory_space<vmem>>
    %dma_start3A_29 = tpu.memref_slice %arg4[%mul3A_15] : memref<163840xi32, #tpu.memory_space<hbm>> -> memref<128xi32, #tpu.memory_space<hbm>>
    %dma_start3A_30 = tpu.memref_slice %arg12[%rem3A_7] : memref<4x!tpu.dma_semaphore, #tpu.memory_space<semaphore_mem>> -> memref<1x!tpu.dma_semaphore, #tpu.memory_space<semaphore_mem>>
    %dma_start3A_31 = tpu.memref_squeeze %dma_start3A_30 : memref<1x!tpu.dma_semaphore, #tpu.memory_space<semaphore_mem>> -> memref<!tpu.dma_semaphore, #tpu.memory_space<semaphore_mem>>
    %dma_start3A_32 = arith.constant 0 : i32
    %dma_start3A_33 = tpu.memref_slice %arg8[%rem3A_7, %dma_start3A_32] : memref<4x128xi32, #tpu.memory_space<vmem>> -> memref<1x128xi32, #tpu.memory_space<vmem>>
    %dma_start3A_34 = tpu.memref_squeeze %dma_start3A_33 : memref<1x128xi32, #tpu.memory_space<vmem>> -> memref<128xi32, #tpu.memory_space<vmem>>
    %dma_start3A_35 = tpu.memref_slice %arg4[%mul3A_15] : memref<163840xi32, #tpu.memory_space<hbm>> -> memref<128xi32, #tpu.memory_space<hbm>>
    tpu.enqueue_dma source(%dma_start3A_35 : memref<128xi32, #tpu.memory_space<hbm>>) target(%dma_start3A_34 : memref<128xi32, #tpu.memory_space<vmem>>) target_semaphore(%dma_start3A_31 : memref<!tpu.dma_semaphore, #tpu.memory_space<semaphore_mem>>)
    %rem3A_36 = arith.constant 1 : i32
    %rem3A_37 = arith.constant 4 : i32
    %rem3A_38 = arith.remsi %rem3A_36, %rem3A_37 : i32
    %add3A_39 = arith.constant 0 : i32
    %add3A_40 = arith.addi %add3A_39, %arg0 : i32
    %mul3A_41 = arith.constant 163840 : i32
    %mul3A_42 = arith.muli %add3A_40, %mul3A_41 : i32
    %mul3A_43 = arith.constant 80 : i32
    %mul3A_44 = arith.muli %arg1, %mul3A_43 : i32
    %add3A_45 = arith.constant 1 : i32
    %add3A_46 = arith.addi %mul3A_44, %add3A_45 : i32
    %mul3A_47 = arith.constant 128 : i32
    %mul3A_48 = arith.muli %add3A_46, %mul3A_47 : i32
    %add3A_49 = arith.addi %mul3A_42, %mul3A_48 : i32
    %dma_start3A_50 = arith.constant 0 : i32
    %dma_start3A_51 = tpu.memref_slice %arg7[%rem3A_38, %dma_start3A_50] : memref<4x128xi32, #tpu.memory_space<vmem>> -> memref<1x128xi32, #tpu.memory_space<vmem>>
    %dma_start3A_52 = tpu.memref_squeeze %dma_start3A_51 : memref<1x128xi32, #tpu.memory_space<vmem>> -> memref<128xi32, #tpu.memory_space<vmem>>
    %dma_start3A_53 = tpu.memref_slice %arg3[%add3A_49] : memref<655360xi32, #tpu.memory_space<hbm>> -> memref<128xi32, #tpu.memory_space<hbm>>
    %dma_start3A_54 = tpu.memref_slice %arg11[%rem3A_38] : memref<4x!tpu.dma_semaphore, #tpu.memory_space<semaphore_mem>> -> memref<1x!tpu.dma_semaphore, #tpu.memory_space<semaphore_mem>>
    %dma_start3A_55 = tpu.memref_squeeze %dma_start3A_54 : memref<1x!tpu.dma_semaphore, #tpu.memory_space<semaphore_mem>> -> memref<!tpu.dma_semaphore, #tpu.memory_space<semaphore_mem>>
    %dma_start3A_56 = arith.constant 0 : i32
    %dma_start3A_57 = tpu.memref_slice %arg7[%rem3A_38, %dma_start3A_56] : memref<4x128xi32, #tpu.memory_space<vmem>> -> memref<1x128xi32, #tpu.memory_space<vmem>>
    %dma_start3A_58 = tpu.memref_squeeze %dma_start3A_57 : memref<1x128xi32, #tpu.memory_space<vmem>> -> memref<128xi32, #tpu.memory_space<vmem>>
    %dma_start3A_59 = tpu.memref_slice %arg3[%add3A_49] : memref<655360xi32, #tpu.memory_space<hbm>> -> memref<128xi32, #tpu.memory_space<hbm>>
    tpu.enqueue_dma source(%dma_start3A_59 : memref<128xi32, #tpu.memory_space<hbm>>) target(%dma_start3A_58 : memref<128xi32, #tpu.memory_space<vmem>>) target_semaphore(%dma_start3A_55 : memref<!tpu.dma_semaphore, #tpu.memory_space<semaphore_mem>>)
    %dma_start3A_60 = arith.constant 0 : i32
    %dma_start3A_61 = tpu.memref_slice %arg8[%rem3A_38, %dma_start3A_60] : memref<4x128xi32, #tpu.memory_space<vmem>> -> memref<1x128xi32, #tpu.memory_space<vmem>>
    %dma_start3A_62 = tpu.memref_squeeze %dma_start3A_61 : memref<1x128xi32, #tpu.memory_space<vmem>> -> memref<128xi32, #tpu.memory_space<vmem>>
    %dma_start3A_63 = tpu.memref_slice %arg4[%mul3A_48] : memref<163840xi32, #tpu.memory_space<hbm>> -> memref<128xi32, #tpu.memory_space<hbm>>
    %dma_start3A_64 = tpu.memref_slice %arg12[%rem3A_38] : memref<4x!tpu.dma_semaphore, #tpu.memory_space<semaphore_mem>> -> memref<1x!tpu.dma_semaphore, #tpu.memory_space<semaphore_mem>>
    %dma_start3A_65 = tpu.memref_squeeze %dma_start3A_64 : memref<1x!tpu.dma_semaphore, #tpu.memory_space<semaphore_mem>> -> memref<!tpu.dma_semaphore, #tpu.memory_space<semaphore_mem>>
    %dma_start3A_66 = arith.constant 0 : i32
    %dma_start3A_67 = tpu.memref_slice %arg8[%rem3A_38, %dma_start3A_66] : memref<4x128xi32, #tpu.memory_space<vmem>> -> memref<1x128xi32, #tpu.memory_space<vmem>>
    %dma_start3A_68 = tpu.memref_squeeze %dma_start3A_67 : memref<1x128xi32, #tpu.memory_space<vmem>> -> memref<128xi32, #tpu.memory_space<vmem>>
    %dma_start3A_69 = tpu.memref_slice %arg4[%mul3A_48] : memref<163840xi32, #tpu.memory_space<hbm>> -> memref<128xi32, #tpu.memory_space<hbm>>
    tpu.enqueue_dma source(%dma_start3A_69 : memref<128xi32, #tpu.memory_space<hbm>>) target(%dma_start3A_68 : memref<128xi32, #tpu.memory_space<vmem>>) target_semaphore(%dma_start3A_65 : memref<!tpu.dma_semaphore, #tpu.memory_space<semaphore_mem>>)
    %rem3A_70 = arith.constant 2 : i32
    %rem3A_71 = arith.constant 4 : i32
    %rem3A_72 = arith.remsi %rem3A_70, %rem3A_71 : i32
    %add3A_73 = arith.constant 0 : i32
    %add3A_74 = arith.addi %add3A_73, %arg0 : i32
    %mul3A_75 = arith.constant 163840 : i32
    %mul3A_76 = arith.muli %add3A_74, %mul3A_75 : i32
    %mul3A_77 = arith.constant 80 : i32
    %mul3A_78 = arith.muli %arg1, %mul3A_77 : i32
    %add3A_79 = arith.constant 2 : i32
    %add3A_80 = arith.addi %mul3A_78, %add3A_79 : i32
    %mul3A_81 = arith.constant 128 : i32
    %mul3A_82 = arith.muli %add3A_80, %mul3A_81 : i32
    %add3A_83 = arith.addi %mul3A_76, %mul3A_82 : i32
    %dma_start3A_84 = arith.constant 0 : i32
    %dma_start3A_85 = tpu.memref_slice %arg7[%rem3A_72, %dma_start3A_84] : memref<4x128xi32, #tpu.memory_space<vmem>> -> memref<1x128xi32, #tpu.memory_space<vmem>>
    %dma_start3A_86 = tpu.memref_squeeze %dma_start3A_85 : memref<1x128xi32, #tpu.memory_space<vmem>> -> memref<128xi32, #tpu.memory_space<vmem>>
    %dma_start3A_87 = tpu.memref_slice %arg3[%add3A_83] : memref<655360xi32, #tpu.memory_space<hbm>> -> memref<128xi32, #tpu.memory_space<hbm>>
    %dma_start3A_88 = tpu.memref_slice %arg11[%rem3A_72] : memref<4x!tpu.dma_semaphore, #tpu.memory_space<semaphore_mem>> -> memref<1x!tpu.dma_semaphore, #tpu.memory_space<semaphore_mem>>
    %dma_start3A_89 = tpu.memref_squeeze %dma_start3A_88 : memref<1x!tpu.dma_semaphore, #tpu.memory_space<semaphore_mem>> -> memref<!tpu.dma_semaphore, #tpu.memory_space<semaphore_mem>>
    %dma_start3A_90 = arith.constant 0 : i32
    %dma_start3A_91 = tpu.memref_slice %arg7[%rem3A_72, %dma_start3A_90] : memref<4x128xi32, #tpu.memory_space<vmem>> -> memref<1x128xi32, #tpu.memory_space<vmem>>
    %dma_start3A_92 = tpu.memref_squeeze %dma_start3A_91 : memref<1x128xi32, #tpu.memory_space<vmem>> -> memref<128xi32, #tpu.memory_space<vmem>>
    %dma_start3A_93 = tpu.memref_slice %arg3[%add3A_83] : memref<655360xi32, #tpu.memory_space<hbm>> -> memref<128xi32, #tpu.memory_space<hbm>>
    tpu.enqueue_dma source(%dma_start3A_93 : memref<128xi32, #tpu.memory_space<hbm>>) target(%dma_start3A_92 : memref<128xi32, #tpu.memory_space<vmem>>) target_semaphore(%dma_start3A_89 : memref<!tpu.dma_semaphore, #tpu.memory_space<semaphore_mem>>)
    %dma_start3A_94 = arith.constant 0 : i32
    %dma_start3A_95 = tpu.memref_slice %arg8[%rem3A_72, %dma_start3A_94] : memref<4x128xi32, #tpu.memory_space<vmem>> -> memref<1x128xi32, #tpu.memory_space<vmem>>
    %dma_start3A_96 = tpu.memref_squeeze %dma_start3A_95 : memref<1x128xi32, #tpu.memory_space<vmem>> -> memref<128xi32, #tpu.memory_space<vmem>>
    %dma_start3A_97 = tpu.memref_slice %arg4[%mul3A_82] : memref<163840xi32, #tpu.memory_space<hbm>> -> memref<128xi32, #tpu.memory_space<hbm>>
    %dma_start3A_98 = tpu.memref_slice %arg12[%rem3A_72] : memref<4x!tpu.dma_semaphore, #tpu.memory_space<semaphore_mem>> -> memref<1x!tpu.dma_semaphore, #tpu.memory_space<semaphore_mem>>
    %dma_start3A_99 = tpu.memref_squeeze %dma_start3A_98 : memref<1x!tpu.dma_semaphore, #tpu.memory_space<semaphore_mem>> -> memref<!tpu.dma_semaphore, #tpu.memory_space<semaphore_mem>>
    %dma_start3A_100 = arith.constant 0 : i32
    %dma_start3A_101 = tpu.memref_slice %arg8[%rem3A_72, %dma_start3A_100] : memref<4x128xi32, #tpu.memory_space<vmem>> -> memref<1x128xi32, #tpu.memory_space<vmem>>
    %dma_start3A_102 = tpu.memref_squeeze %dma_start3A_101 : memref<1x128xi32, #tpu.memory_space<vmem>> -> memref<128xi32, #tpu.memory_space<vmem>>
    %dma_start3A_103 = tpu.memref_slice %arg4[%mul3A_82] : memref<163840xi32, #tpu.memory_space<hbm>> -> memref<128xi32, #tpu.memory_space<hbm>>
    tpu.enqueue_dma source(%dma_start3A_103 : memref<128xi32, #tpu.memory_space<hbm>>) target(%dma_start3A_102 : memref<128xi32, #tpu.memory_space<vmem>>) target_semaphore(%dma_start3A_99 : memref<!tpu.dma_semaphore, #tpu.memory_space<semaphore_mem>>)
    %rem3A_104 = arith.constant 0 : i32
    %rem3A_105 = arith.constant 4 : i32
    %rem3A_106 = arith.remsi %rem3A_104, %rem3A_105 : i32
    %dma_wait3A = arith.constant 0 : i32
    %dma_wait3A_107 = tpu.memref_slice %arg7[%rem3A_106, %dma_wait3A] : memref<4x128xi32, #tpu.memory_space<vmem>> -> memref<1x128xi32, #tpu.memory_space<vmem>>
    %dma_wait3A_108 = tpu.memref_squeeze %dma_wait3A_107 : memref<1x128xi32, #tpu.memory_space<vmem>> -> memref<128xi32, #tpu.memory_space<vmem>>
    %dma_wait3A_109 = arith.constant 0 : i32
    %dma_wait3A_110 = tpu.memref_slice %arg3[%dma_wait3A_109] : memref<655360xi32, #tpu.memory_space<hbm>> -> memref<128xi32, #tpu.memory_space<hbm>>
    %dma_wait3A_111 = tpu.memref_slice %arg11[%rem3A_106] : memref<4x!tpu.dma_semaphore, #tpu.memory_space<semaphore_mem>> -> memref<1x!tpu.dma_semaphore, #tpu.memory_space<semaphore_mem>>
    %dma_wait3A_112 = tpu.memref_squeeze %dma_wait3A_111 : memref<1x!tpu.dma_semaphore, #tpu.memory_space<semaphore_mem>> -> memref<!tpu.dma_semaphore, #tpu.memory_space<semaphore_mem>>
    %dma_wait3A_113 = arith.constant 0 : i32
    %dma_wait3A_114 = tpu.memref_slice %arg7[%rem3A_106, %dma_wait3A_113] : memref<4x128xi32, #tpu.memory_space<vmem>> -> memref<1x128xi32, #tpu.memory_space<vmem>>
    %dma_wait3A_115 = tpu.memref_squeeze %dma_wait3A_114 : memref<1x128xi32, #tpu.memory_space<vmem>> -> memref<128xi32, #tpu.memory_space<vmem>>
    %dma_wait3A_116 = arith.constant 0 : i32
    %dma_wait3A_117 = tpu.memref_slice %arg3[%dma_wait3A_116] : memref<655360xi32, #tpu.memory_space<hbm>> -> memref<128xi32, #tpu.memory_space<hbm>>
    tpu.wait_dma2 semaphore(%dma_wait3A_112 : memref<!tpu.dma_semaphore, #tpu.memory_space<semaphore_mem>>) src(%dma_wait3A_117 : memref<128xi32, #tpu.memory_space<hbm>>) dst(%dma_wait3A_115 : memref<128xi32, #tpu.memory_space<vmem>>)
    %dma_wait3A_118 = arith.constant 0 : i32
    %dma_wait3A_119 = tpu.memref_slice %arg8[%rem3A_106, %dma_wait3A_118] : memref<4x128xi32, #tpu.memory_space<vmem>> -> memref<1x128xi32, #tpu.memory_space<vmem>>
    %dma_wait3A_120 = tpu.memref_squeeze %dma_wait3A_119 : memref<1x128xi32, #tpu.memory_space<vmem>> -> memref<128xi32, #tpu.memory_space<vmem>>
    %dma_wait3A_121 = arith.constant 0 : i32
    %dma_wait3A_122 = tpu.memref_slice %arg4[%dma_wait3A_121] : memref<163840xi32, #tpu.memory_space<hbm>> -> memref<128xi32, #tpu.memory_space<hbm>>
    %dma_wait3A_123 = tpu.memref_slice %arg12[%rem3A_106] : memref<4x!tpu.dma_semaphore, #tpu.memory_space<semaphore_mem>> -> memref<1x!tpu.dma_semaphore, #tpu.memory_space<semaphore_mem>>
    %dma_wait3A_124 = tpu.memref_squeeze %dma_wait3A_123 : memref<1x!tpu.dma_semaphore, #tpu.memory_space<semaphore_mem>> -> memref<!tpu.dma_semaphore, #tpu.memory_space<semaphore_mem>>
    %dma_wait3A_125 = arith.constant 0 : i32
    %dma_wait3A_126 = tpu.memref_slice %arg8[%rem3A_106, %dma_wait3A_125] : memref<4x128xi32, #tpu.memory_space<vmem>> -> memref<1x128xi32, #tpu.memory_space<vmem>>
    %dma_wait3A_127 = tpu.memref_squeeze %dma_wait3A_126 : memref<1x128xi32, #tpu.memory_space<vmem>> -> memref<128xi32, #tpu.memory_space<vmem>>
    %dma_wait3A_128 = arith.constant 0 : i32
    %dma_wait3A_129 = tpu.memref_slice %arg4[%dma_wait3A_128] : memref<163840xi32, #tpu.memory_space<hbm>> -> memref<128xi32, #tpu.memory_space<hbm>>
    tpu.wait_dma2 semaphore(%dma_wait3A_124 : memref<!tpu.dma_semaphore, #tpu.memory_space<semaphore_mem>>) src(%dma_wait3A_129 : memref<128xi32, #tpu.memory_space<hbm>>) dst(%dma_wait3A_127 : memref<128xi32, #tpu.memory_space<vmem>>)
    %rem3A_130 = arith.constant 0 : i32
    %rem3A_131 = arith.constant 4 : i32
    %rem3A_132 = arith.remsi %rem3A_130, %rem3A_131 : i32
    %rem3A_133 = arith.constant 0 : i32
    %rem3A_134 = arith.constant 2 : i32
    %rem3A_135 = arith.remsi %rem3A_133, %rem3A_134 : i32
    %dma_start3A_136 = arith.constant 0 : i32
    %dma_start3A_137 = arith.constant 0 : i32
    %dma_start3A_138 = tpu.memref_slice %arg9[%rem3A_135, %dma_start3A_136, %dma_start3A_137] : memref<2x128x128xf32, #tpu.memory_space<vmem>> -> memref<1x128x128xf32, #tpu.memory_space<vmem>>
    %dma_start3A_139 = tpu.memref_squeeze %dma_start3A_138 : memref<1x128x128xf32, #tpu.memory_space<vmem>> -> memref<128x128xf32, #tpu.memory_space<vmem>>
    %dma_start3A_140 = arith.constant 0 : i32
    %dma_start3A_141 = tpu.memref_slice %arg7[%rem3A_132, %dma_start3A_140] : memref<4x128xi32, #tpu.memory_space<vmem>> -> memref<1x128xi32, #tpu.memory_space<vmem>>
    %dma_start3A_142 = tpu.memref_squeeze %dma_start3A_141 : memref<1x128xi32, #tpu.memory_space<vmem>> -> memref<128xi32, #tpu.memory_space<vmem>>
    %dma_start3A_143 = arith.constant 0 : i32
    %dma_start3A_144 = arith.constant 0 : i32
    %dma_start3A_145 = tpu.memref_slice %arg2[%dma_start3A_143, %dma_start3A_144] : memref<40960x128xf32, #tpu.memory_space<hbm>> -> memref<40960x128xf32, #tpu.memory_space<hbm>>
    %dma_start3A_146 = tpu.memref_slice %arg10[%rem3A_135] : memref<2x!tpu.dma_semaphore, #tpu.memory_space<semaphore_mem>> -> memref<1x!tpu.dma_semaphore, #tpu.memory_space<semaphore_mem>>
    %dma_start3A_147 = tpu.memref_squeeze %dma_start3A_146 : memref<1x!tpu.dma_semaphore, #tpu.memory_space<semaphore_mem>> -> memref<!tpu.dma_semaphore, #tpu.memory_space<semaphore_mem>>
    tpu.enqueue_indirect_dma source(%dma_start3A_145 : memref<40960x128xf32, #tpu.memory_space<hbm>>) target(%dma_start3A_139 : memref<128x128xf32, #tpu.memory_space<vmem>>) offsets(%dma_start3A_142 : memref<128xi32, #tpu.memory_space<vmem>>) semaphore(%dma_start3A_147 : memref<!tpu.dma_semaphore, #tpu.memory_space<semaphore_mem>>)
    %scan3A_148 = arith.constant 0 : i32
    %scan3A_149 = arith.constant 0 : i32
    %scan3A_150 = arith.constant 80 : i32
    %scan3A_151 = arith.addi %scan3A_149, %scan3A_150 : i32
    %scan3A_152 = arith.constant 1 : i32
    %scan3A_153 = scf.for %scan3A_336 = %scan3A_149 to %scan3A_151 step %scan3A_152 iter_args(%scan3A_337 = %scan3A_148) -> (i32)  : i32 {
      %add3A_338 = arith.constant 3 : i32
      %add3A_339 = arith.addi %scan3A_336, %add3A_338 : i32
      %lt3A = arith.constant 80 : i32
      %lt3A_340 = arith.cmpi slt, %add3A_339, %lt3A : i32
      %convert_element_type3A = arith.extui %lt3A_340 : i1 to i32
      %cond3A = arith.constant 0 : i32
      %cond3A_341 = arith.cmpi ne, %convert_element_type3A, %cond3A : i32
      scf.if %cond3A_341 {
        %add3A_370 = arith.constant 3 : i32
        %add3A_371 = arith.addi %scan3A_336, %add3A_370 : i32
        %rem3A_372 = arith.constant 4 : i32
        %rem3A_373 = arith.remsi %add3A_371, %rem3A_372 : i32
        %add3A_374 = arith.constant 0 : i32
        %add3A_375 = arith.addi %add3A_374, %arg0 : i32
        %mul3A_376 = arith.constant 163840 : i32
        %mul3A_377 = arith.muli %add3A_375, %mul3A_376 : i32
        %mul3A_378 = arith.constant 80 : i32
        %mul3A_379 = arith.muli %arg1, %mul3A_378 : i32
        %add3A_380 = arith.addi %mul3A_379, %add3A_371 : i32
        %mul3A_381 = arith.constant 128 : i32
        %mul3A_382 = arith.muli %add3A_380, %mul3A_381 : i32
        %add3A_383 = arith.addi %mul3A_377, %mul3A_382 : i32
        %dma_start3A_384 = arith.constant 0 : i32
        %dma_start3A_385 = tpu.memref_slice %arg7[%rem3A_373, %dma_start3A_384] : memref<4x128xi32, #tpu.memory_space<vmem>> -> memref<1x128xi32, #tpu.memory_space<vmem>>
        %dma_start3A_386 = tpu.memref_squeeze %dma_start3A_385 : memref<1x128xi32, #tpu.memory_space<vmem>> -> memref<128xi32, #tpu.memory_space<vmem>>
        %dma_start3A_387 = tpu.memref_slice %arg3[%add3A_383] : memref<655360xi32, #tpu.memory_space<hbm>> -> memref<128xi32, #tpu.memory_space<hbm>>
        %dma_start3A_388 = tpu.memref_slice %arg11[%rem3A_373] : memref<4x!tpu.dma_semaphore, #tpu.memory_space<semaphore_mem>> -> memref<1x!tpu.dma_semaphore, #tpu.memory_space<semaphore_mem>>
        %dma_start3A_389 = tpu.memref_squeeze %dma_start3A_388 : memref<1x!tpu.dma_semaphore, #tpu.memory_space<semaphore_mem>> -> memref<!tpu.dma_semaphore, #tpu.memory_space<semaphore_mem>>
        %dma_start3A_390 = arith.constant 0 : i32
        %dma_start3A_391 = tpu.memref_slice %arg7[%rem3A_373, %dma_start3A_390] : memref<4x128xi32, #tpu.memory_space<vmem>> -> memref<1x128xi32, #tpu.memory_space<vmem>>
        %dma_start3A_392 = tpu.memref_squeeze %dma_start3A_391 : memref<1x128xi32, #tpu.memory_space<vmem>> -> memref<128xi32, #tpu.memory_space<vmem>>
        %dma_start3A_393 = tpu.memref_slice %arg3[%add3A_383] : memref<655360xi32, #tpu.memory_space<hbm>> -> memref<128xi32, #tpu.memory_space<hbm>>
        tpu.enqueue_dma source(%dma_start3A_393 : memref<128xi32, #tpu.memory_space<hbm>>) target(%dma_start3A_392 : memref<128xi32, #tpu.memory_space<vmem>>) target_semaphore(%dma_start3A_389 : memref<!tpu.dma_semaphore, #tpu.memory_space<semaphore_mem>>)
        %dma_start3A_394 = arith.constant 0 : i32
        %dma_start3A_395 = tpu.memref_slice %arg8[%rem3A_373, %dma_start3A_394] : memref<4x128xi32, #tpu.memory_space<vmem>> -> memref<1x128xi32, #tpu.memory_space<vmem>>
        %dma_start3A_396 = tpu.memref_squeeze %dma_start3A_395 : memref<1x128xi32, #tpu.memory_space<vmem>> -> memref<128xi32, #tpu.memory_space<vmem>>
        %dma_start3A_397 = tpu.memref_slice %arg4[%mul3A_382] : memref<163840xi32, #tpu.memory_space<hbm>> -> memref<128xi32, #tpu.memory_space<hbm>>
        %dma_start3A_398 = tpu.memref_slice %arg12[%rem3A_373] : memref<4x!tpu.dma_semaphore, #tpu.memory_space<semaphore_mem>> -> memref<1x!tpu.dma_semaphore, #tpu.memory_space<semaphore_mem>>
        %dma_start3A_399 = tpu.memref_squeeze %dma_start3A_398 : memref<1x!tpu.dma_semaphore, #tpu.memory_space<semaphore_mem>> -> memref<!tpu.dma_semaphore, #tpu.memory_space<semaphore_mem>>
        %dma_start3A_400 = arith.constant 0 : i32
        %dma_start3A_401 = tpu.memref_slice %arg8[%rem3A_373, %dma_start3A_400] : memref<4x128xi32, #tpu.memory_space<vmem>> -> memref<1x128xi32, #tpu.memory_space<vmem>>
        %dma_start3A_402 = tpu.memref_squeeze %dma_start3A_401 : memref<1x128xi32, #tpu.memory_space<vmem>> -> memref<128xi32, #tpu.memory_space<vmem>>
        %dma_start3A_403 = tpu.memref_slice %arg4[%mul3A_382] : memref<163840xi32, #tpu.memory_space<hbm>> -> memref<128xi32, #tpu.memory_space<hbm>>
        tpu.enqueue_dma source(%dma_start3A_403 : memref<128xi32, #tpu.memory_space<hbm>>) target(%dma_start3A_402 : memref<128xi32, #tpu.memory_space<vmem>>) target_semaphore(%dma_start3A_399 : memref<!tpu.dma_semaphore, #tpu.memory_space<semaphore_mem>>)
      } else {
      }
      %add3A_342 = arith.constant 1 : i32
      %add3A_343 = arith.addi %scan3A_336, %add3A_342 : i32
      %lt3A_344 = arith.constant 80 : i32
      %lt3A_345 = arith.cmpi slt, %add3A_343, %lt3A_344 : i32
      %convert_element_type3A_346 = arith.extui %lt3A_345 : i1 to i32
      %cond3A_347 = arith.constant 0 : i32
      %cond3A_348 = arith.cmpi ne, %convert_element_type3A_346, %cond3A_347 : i32
      scf.if %cond3A_348 {
        %add3A_370 = arith.constant 1 : i32
        %add3A_371 = arith.addi %scan3A_336, %add3A_370 : i32
        %rem3A_372 = arith.constant 4 : i32
        %rem3A_373 = arith.remsi %add3A_371, %rem3A_372 : i32
        %dma_wait3A_374 = arith.constant 0 : i32
        %dma_wait3A_375 = tpu.memref_slice %arg7[%rem3A_373, %dma_wait3A_374] : memref<4x128xi32, #tpu.memory_space<vmem>> -> memref<1x128xi32, #tpu.memory_space<vmem>>
        %dma_wait3A_376 = tpu.memref_squeeze %dma_wait3A_375 : memref<1x128xi32, #tpu.memory_space<vmem>> -> memref<128xi32, #tpu.memory_space<vmem>>
        %dma_wait3A_377 = arith.constant 0 : i32
        %dma_wait3A_378 = tpu.memref_slice %arg3[%dma_wait3A_377] : memref<655360xi32, #tpu.memory_space<hbm>> -> memref<128xi32, #tpu.memory_space<hbm>>
        %dma_wait3A_379 = tpu.memref_slice %arg11[%rem3A_373] : memref<4x!tpu.dma_semaphore, #tpu.memory_space<semaphore_mem>> -> memref<1x!tpu.dma_semaphore, #tpu.memory_space<semaphore_mem>>
        %dma_wait3A_380 = tpu.memref_squeeze %dma_wait3A_379 : memref<1x!tpu.dma_semaphore, #tpu.memory_space<semaphore_mem>> -> memref<!tpu.dma_semaphore, #tpu.memory_space<semaphore_mem>>
        %dma_wait3A_381 = arith.constant 0 : i32
        %dma_wait3A_382 = tpu.memref_slice %arg7[%rem3A_373, %dma_wait3A_381] : memref<4x128xi32, #tpu.memory_space<vmem>> -> memref<1x128xi32, #tpu.memory_space<vmem>>
        %dma_wait3A_383 = tpu.memref_squeeze %dma_wait3A_382 : memref<1x128xi32, #tpu.memory_space<vmem>> -> memref<128xi32, #tpu.memory_space<vmem>>
        %dma_wait3A_384 = arith.constant 0 : i32
        %dma_wait3A_385 = tpu.memref_slice %arg3[%dma_wait3A_384] : memref<655360xi32, #tpu.memory_space<hbm>> -> memref<128xi32, #tpu.memory_space<hbm>>
        tpu.wait_dma2 semaphore(%dma_wait3A_380 : memref<!tpu.dma_semaphore, #tpu.memory_space<semaphore_mem>>) src(%dma_wait3A_385 : memref<128xi32, #tpu.memory_space<hbm>>) dst(%dma_wait3A_383 : memref<128xi32, #tpu.memory_space<vmem>>)
        %dma_wait3A_386 = arith.constant 0 : i32
        %dma_wait3A_387 = tpu.memref_slice %arg8[%rem3A_373, %dma_wait3A_386] : memref<4x128xi32, #tpu.memory_space<vmem>> -> memref<1x128xi32, #tpu.memory_space<vmem>>
        %dma_wait3A_388 = tpu.memref_squeeze %dma_wait3A_387 : memref<1x128xi32, #tpu.memory_space<vmem>> -> memref<128xi32, #tpu.memory_space<vmem>>
        %dma_wait3A_389 = arith.constant 0 : i32
        %dma_wait3A_390 = tpu.memref_slice %arg4[%dma_wait3A_389] : memref<163840xi32, #tpu.memory_space<hbm>> -> memref<128xi32, #tpu.memory_space<hbm>>
        %dma_wait3A_391 = tpu.memref_slice %arg12[%rem3A_373] : memref<4x!tpu.dma_semaphore, #tpu.memory_space<semaphore_mem>> -> memref<1x!tpu.dma_semaphore, #tpu.memory_space<semaphore_mem>>
        %dma_wait3A_392 = tpu.memref_squeeze %dma_wait3A_391 : memref<1x!tpu.dma_semaphore, #tpu.memory_space<semaphore_mem>> -> memref<!tpu.dma_semaphore, #tpu.memory_space<semaphore_mem>>
        %dma_wait3A_393 = arith.constant 0 : i32
        %dma_wait3A_394 = tpu.memref_slice %arg8[%rem3A_373, %dma_wait3A_393] : memref<4x128xi32, #tpu.memory_space<vmem>> -> memref<1x128xi32, #tpu.memory_space<vmem>>
        %dma_wait3A_395 = tpu.memref_squeeze %dma_wait3A_394 : memref<1x128xi32, #tpu.memory_space<vmem>> -> memref<128xi32, #tpu.memory_space<vmem>>
        %dma_wait3A_396 = arith.constant 0 : i32
        %dma_wait3A_397 = tpu.memref_slice %arg4[%dma_wait3A_396] : memref<163840xi32, #tpu.memory_space<hbm>> -> memref<128xi32, #tpu.memory_space<hbm>>
        tpu.wait_dma2 semaphore(%dma_wait3A_392 : memref<!tpu.dma_semaphore, #tpu.memory_space<semaphore_mem>>) src(%dma_wait3A_397 : memref<128xi32, #tpu.memory_space<hbm>>) dst(%dma_wait3A_395 : memref<128xi32, #tpu.memory_space<vmem>>)
        %add3A_398 = arith.constant 1 : i32
        %add3A_399 = arith.addi %scan3A_336, %add3A_398 : i32
        %rem3A_400 = arith.constant 4 : i32
        %rem3A_401 = arith.remsi %add3A_399, %rem3A_400 : i32
        %rem3A_402 = arith.constant 2 : i32
        %rem3A_403 = arith.remsi %add3A_399, %rem3A_402 : i32
        %dma_start3A_404 = arith.constant 0 : i32
        %dma_start3A_405 = arith.constant 0 : i32
        %dma_start3A_406 = tpu.memref_slice %arg9[%rem3A_403, %dma_start3A_404, %dma_start3A_405] : memref<2x128x128xf32, #tpu.memory_space<vmem>> -> memref<1x128x128xf32, #tpu.memory_space<vmem>>
        %dma_start3A_407 = tpu.memref_squeeze %dma_start3A_406 : memref<1x128x128xf32, #tpu.memory_space<vmem>> -> memref<128x128xf32, #tpu.memory_space<vmem>>
        %dma_start3A_408 = arith.constant 0 : i32
        %dma_start3A_409 = tpu.memref_slice %arg7[%rem3A_401, %dma_start3A_408] : memref<4x128xi32, #tpu.memory_space<vmem>> -> memref<1x128xi32, #tpu.memory_space<vmem>>
        %dma_start3A_410 = tpu.memref_squeeze %dma_start3A_409 : memref<1x128xi32, #tpu.memory_space<vmem>> -> memref<128xi32, #tpu.memory_space<vmem>>
        %dma_start3A_411 = arith.constant 0 : i32
        %dma_start3A_412 = arith.constant 0 : i32
        %dma_start3A_413 = tpu.memref_slice %arg2[%dma_start3A_411, %dma_start3A_412] : memref<40960x128xf32, #tpu.memory_space<hbm>> -> memref<40960x128xf32, #tpu.memory_space<hbm>>
        %dma_start3A_414 = tpu.memref_slice %arg10[%rem3A_403] : memref<2x!tpu.dma_semaphore, #tpu.memory_space<semaphore_mem>> -> memref<1x!tpu.dma_semaphore, #tpu.memory_space<semaphore_mem>>
        %dma_start3A_415 = tpu.memref_squeeze %dma_start3A_414 : memref<1x!tpu.dma_semaphore, #tpu.memory_space<semaphore_mem>> -> memref<!tpu.dma_semaphore, #tpu.memory_space<semaphore_mem>>
        tpu.enqueue_indirect_dma source(%dma_start3A_413 : memref<40960x128xf32, #tpu.memory_space<hbm>>) target(%dma_start3A_407 : memref<128x128xf32, #tpu.memory_space<vmem>>) offsets(%dma_start3A_410 : memref<128xi32, #tpu.memory_space<vmem>>) semaphore(%dma_start3A_415 : memref<!tpu.dma_semaphore, #tpu.memory_space<semaphore_mem>>)
      } else {
      }
      %rem3A_349 = arith.constant 4 : i32
      %rem3A_350 = arith.remsi %scan3A_336, %rem3A_349 : i32
      %rem3A_351 = arith.constant 2 : i32
      %rem3A_352 = arith.remsi %scan3A_336, %rem3A_351 : i32
      %dma_wait3A_353 = arith.constant 0 : i32
      %dma_wait3A_354 = arith.constant 0 : i32
      %dma_wait3A_355 = tpu.memref_slice %arg9[%rem3A_352, %dma_wait3A_353, %dma_wait3A_354] : memref<2x128x128xf32, #tpu.memory_space<vmem>> -> memref<1x128x128xf32, #tpu.memory_space<vmem>>
      %dma_wait3A_356 = tpu.memref_squeeze %dma_wait3A_355 : memref<1x128x128xf32, #tpu.memory_space<vmem>> -> memref<128x128xf32, #tpu.memory_space<vmem>>
      %dma_wait3A_357 = arith.constant 0 : i32
      %dma_wait3A_358 = tpu.memref_slice %arg7[%rem3A_350, %dma_wait3A_357] : memref<4x128xi32, #tpu.memory_space<vmem>> -> memref<1x128xi32, #tpu.memory_space<vmem>>
      %dma_wait3A_359 = tpu.memref_squeeze %dma_wait3A_358 : memref<1x128xi32, #tpu.memory_space<vmem>> -> memref<128xi32, #tpu.memory_space<vmem>>
      %dma_wait3A_360 = arith.constant 0 : i32
      %dma_wait3A_361 = arith.constant 0 : i32
      %dma_wait3A_362 = tpu.memref_slice %arg2[%dma_wait3A_360, %dma_wait3A_361] : memref<40960x128xf32, #tpu.memory_space<hbm>> -> memref<40960x128xf32, #tpu.memory_space<hbm>>
      %dma_wait3A_363 = tpu.memref_slice %arg10[%rem3A_352] : memref<2x!tpu.dma_semaphore, #tpu.memory_space<semaphore_mem>> -> memref<1x!tpu.dma_semaphore, #tpu.memory_space<semaphore_mem>>
      %dma_wait3A_364 = tpu.memref_squeeze %dma_wait3A_363 : memref<1x!tpu.dma_semaphore, #tpu.memory_space<semaphore_mem>> -> memref<!tpu.dma_semaphore, #tpu.memory_space<semaphore_mem>>
      tpu.wait_indirect_dma semaphore(%dma_wait3A_364 : memref<!tpu.dma_semaphore, #tpu.memory_space<semaphore_mem>>) src(%dma_wait3A_362 : memref<40960x128xf32, #tpu.memory_space<hbm>>) dst(%dma_wait3A_356 : memref<128x128xf32, #tpu.memory_space<vmem>>)
      %rem3A_365 = arith.constant 2 : i32
      %rem3A_366 = arith.remsi %scan3A_336, %rem3A_365 : i32
      %rem3A_367 = arith.constant 4 : i32
      %rem3A_368 = arith.remsi %scan3A_336, %rem3A_367 : i32
      "tpu.region"() ({
        %run_scoped3A_370 = tpu.sem_alloc : memref<!tpu.dma_semaphore, #tpu.memory_space<semaphore_mem>>
        %dma_start3A_371 = arith.constant 0 : i32
        %dma_start3A_372 = arith.constant 0 : i32
        %dma_start3A_373 = tpu.memref_slice %arg9[%rem3A_366, %dma_start3A_371, %dma_start3A_372] : memref<2x128x128xf32, #tpu.memory_space<vmem>> -> memref<1x128x128xf32, #tpu.memory_space<vmem>>
        %dma_start3A_374 = tpu.memref_squeeze %dma_start3A_373 : memref<1x128x128xf32, #tpu.memory_space<vmem>> -> memref<128x128xf32, #tpu.memory_space<vmem>>
        %dma_start3A_375 = arith.constant 0 : i32
        %dma_start3A_376 = tpu.memref_slice %arg8[%rem3A_368, %dma_start3A_375] : memref<4x128xi32, #tpu.memory_space<vmem>> -> memref<1x128xi32, #tpu.memory_space<vmem>>
        %dma_start3A_377 = tpu.memref_squeeze %dma_start3A_376 : memref<1x128xi32, #tpu.memory_space<vmem>> -> memref<128xi32, #tpu.memory_space<vmem>>
        %dma_start3A_378 = arith.constant 0 : i32
        %dma_start3A_379 = arith.constant 0 : i32
        %dma_start3A_380 = tpu.memref_slice %arg6[%dma_start3A_378, %dma_start3A_379] : memref<10240x128xf32, #tpu.memory_space<vmem_shared>> -> memref<10240x128xf32, #tpu.memory_space<vmem_shared>>
        tpu.enqueue_indirect_dma source(%dma_start3A_374 : memref<128x128xf32, #tpu.memory_space<vmem>>) target(%dma_start3A_380 : memref<10240x128xf32, #tpu.memory_space<vmem_shared>>) offsets(%dma_start3A_377 : memref<128xi32, #tpu.memory_space<vmem>>) semaphore(%run_scoped3A_370 : memref<!tpu.dma_semaphore, #tpu.memory_space<semaphore_mem>>) {add = true}
        %dma_wait3A_381 = arith.constant 0 : i32
        %dma_wait3A_382 = arith.constant 0 : i32
        %dma_wait3A_383 = tpu.memref_slice %arg9[%rem3A_366, %dma_wait3A_381, %dma_wait3A_382] : memref<2x128x128xf32, #tpu.memory_space<vmem>> -> memref<1x128x128xf32, #tpu.memory_space<vmem>>
        %dma_wait3A_384 = tpu.memref_squeeze %dma_wait3A_383 : memref<1x128x128xf32, #tpu.memory_space<vmem>> -> memref<128x128xf32, #tpu.memory_space<vmem>>
        %dma_wait3A_385 = arith.constant 0 : i32
        %dma_wait3A_386 = tpu.memref_slice %arg8[%rem3A_368, %dma_wait3A_385] : memref<4x128xi32, #tpu.memory_space<vmem>> -> memref<1x128xi32, #tpu.memory_space<vmem>>
        %dma_wait3A_387 = tpu.memref_squeeze %dma_wait3A_386 : memref<1x128xi32, #tpu.memory_space<vmem>> -> memref<128xi32, #tpu.memory_space<vmem>>
        %dma_wait3A_388 = arith.constant 0 : i32
        %dma_wait3A_389 = arith.constant 0 : i32
        %dma_wait3A_390 = tpu.memref_slice %arg6[%dma_wait3A_388, %dma_wait3A_389] : memref<10240x128xf32, #tpu.memory_space<vmem_shared>> -> memref<10240x128xf32, #tpu.memory_space<vmem_shared>>
        tpu.wait_indirect_dma semaphore(%run_scoped3A_370 : memref<!tpu.dma_semaphore, #tpu.memory_space<semaphore_mem>>) src(%dma_wait3A_384 : memref<128x128xf32, #tpu.memory_space<vmem>>) dst(%dma_wait3A_390 : memref<10240x128xf32, #tpu.memory_space<vmem_shared>>)
        tpu.yield
      }) : () -> ()
      %scan3A_369 = arith.constant 0 : i32
      scf.yield %scan3A_369 : i32
    }
    %scan3A_154 = arith.constant 80 : i32
    %barrier3A_155 = arith.constant 0 : index
    tpu.barrier barrier_id(%barrier3A_155)
    %scan3A_156 = arith.constant 0 : i32
    %scan3A_157 = arith.constant 0 : i32
    %scan3A_158 = arith.constant 5 : i32
    %scan3A_159 = arith.addi %scan3A_157, %scan3A_158 : i32
    %scan3A_160 = arith.constant 1 : i32
    %scan3A_161 = scf.for %scan3A_336 = %scan3A_157 to %scan3A_159 step %scan3A_160 iter_args(%scan3A_337 = %scan3A_156) -> (i32)  : i32 {
      %mul3A_338 = arith.constant 640 : i32
      %mul3A_339 = arith.muli %arg1, %mul3A_338 : i32
      %mul3A_340 = arith.constant 128 : i32
      %mul3A_341 = arith.muli %scan3A_336, %mul3A_340 : i32
      %add3A_342 = arith.addi %mul3A_339, %mul3A_341 : i32
      %run_scoped3A_343 = arith.constant 0 : i32
      "tpu.region"() ({
        %run_scoped3A_356 = tpu.sem_alloc : memref<!tpu.dma_semaphore, #tpu.memory_space<semaphore_mem>>
        %dma_start3A_357 = arith.constant 0 : i32
        %dma_start3A_358 = arith.constant 0 : i32
        %dma_start3A_359 = tpu.memref_slice %arg9[%run_scoped3A_343, %dma_start3A_357, %dma_start3A_358] : memref<2x128x128xf32, #tpu.memory_space<vmem>> -> memref<1x128x128xf32, #tpu.memory_space<vmem>>
        %dma_start3A_360 = tpu.memref_squeeze %dma_start3A_359 : memref<1x128x128xf32, #tpu.memory_space<vmem>> -> memref<128x128xf32, #tpu.memory_space<vmem>>
        %dma_start3A_361 = arith.constant 0 : i32
        %dma_start3A_362 = tpu.memref_slice %arg6[%add3A_342, %dma_start3A_361] : memref<10240x128xf32, #tpu.memory_space<vmem_shared>> -> memref<128x128xf32, #tpu.memory_space<vmem_shared>>
        %dma_start3A_363 = arith.constant 0 : i32
        %dma_start3A_364 = arith.constant 0 : i32
        %dma_start3A_365 = tpu.memref_slice %arg9[%run_scoped3A_343, %dma_start3A_363, %dma_start3A_364] : memref<2x128x128xf32, #tpu.memory_space<vmem>> -> memref<1x128x128xf32, #tpu.memory_space<vmem>>
        %dma_start3A_366 = tpu.memref_squeeze %dma_start3A_365 : memref<1x128x128xf32, #tpu.memory_space<vmem>> -> memref<128x128xf32, #tpu.memory_space<vmem>>
        %dma_start3A_367 = arith.constant 0 : i32
        %dma_start3A_368 = tpu.memref_slice %arg6[%add3A_342, %dma_start3A_367] : memref<10240x128xf32, #tpu.memory_space<vmem_shared>> -> memref<128x128xf32, #tpu.memory_space<vmem_shared>>
        tpu.enqueue_dma source(%dma_start3A_368 : memref<128x128xf32, #tpu.memory_space<vmem_shared>>) target(%dma_start3A_366 : memref<128x128xf32, #tpu.memory_space<vmem>>) target_semaphore(%run_scoped3A_356 : memref<!tpu.dma_semaphore, #tpu.memory_space<semaphore_mem>>)
        %dma_wait3A_369 = arith.constant 0 : i32
        %dma_wait3A_370 = arith.constant 0 : i32
        %dma_wait3A_371 = tpu.memref_slice %arg9[%run_scoped3A_343, %dma_wait3A_369, %dma_wait3A_370] : memref<2x128x128xf32, #tpu.memory_space<vmem>> -> memref<1x128x128xf32, #tpu.memory_space<vmem>>
        %dma_wait3A_372 = tpu.memref_squeeze %dma_wait3A_371 : memref<1x128x128xf32, #tpu.memory_space<vmem>> -> memref<128x128xf32, #tpu.memory_space<vmem>>
        %dma_wait3A_373 = arith.constant 0 : i32
        %dma_wait3A_374 = tpu.memref_slice %arg6[%add3A_342, %dma_wait3A_373] : memref<10240x128xf32, #tpu.memory_space<vmem_shared>> -> memref<128x128xf32, #tpu.memory_space<vmem_shared>>
        %dma_wait3A_375 = arith.constant 0 : i32
        %dma_wait3A_376 = arith.constant 0 : i32
        %dma_wait3A_377 = tpu.memref_slice %arg9[%run_scoped3A_343, %dma_wait3A_375, %dma_wait3A_376] : memref<2x128x128xf32, #tpu.memory_space<vmem>> -> memref<1x128x128xf32, #tpu.memory_space<vmem>>
        %dma_wait3A_378 = tpu.memref_squeeze %dma_wait3A_377 : memref<1x128x128xf32, #tpu.memory_space<vmem>> -> memref<128x128xf32, #tpu.memory_space<vmem>>
        %dma_wait3A_379 = arith.constant 0 : i32
        %dma_wait3A_380 = tpu.memref_slice %arg6[%add3A_342, %dma_wait3A_379] : memref<10240x128xf32, #tpu.memory_space<vmem_shared>> -> memref<128x128xf32, #tpu.memory_space<vmem_shared>>
        tpu.wait_dma2 semaphore(%run_scoped3A_356 : memref<!tpu.dma_semaphore, #tpu.memory_space<semaphore_mem>>) src(%dma_wait3A_380 : memref<128x128xf32, #tpu.memory_space<vmem_shared>>) dst(%dma_wait3A_378 : memref<128x128xf32, #tpu.memory_space<vmem>>)
        tpu.yield
      }) : () -> ()
      %add3A_344 = arith.constant 0 : i32
      %add3A_345 = arith.addi %add3A_344, %arg0 : i32
      %mul3A_346 = arith.constant 10240 : i32
      %mul3A_347 = arith.muli %add3A_345, %mul3A_346 : i32
      %mul3A_348 = arith.constant 640 : i32
      %mul3A_349 = arith.muli %arg1, %mul3A_348 : i32
      %add3A_350 = arith.addi %mul3A_347, %mul3A_349 : i32
      %mul3A_351 = arith.constant 128 : i32
      %mul3A_352 = arith.muli %scan3A_336, %mul3A_351 : i32
      %add3A_353 = arith.addi %add3A_350, %mul3A_352 : i32
      %run_scoped3A_354 = arith.constant 0 : i32
      "tpu.region"() ({
        %run_scoped3A_356 = tpu.sem_alloc : memref<!tpu.dma_semaphore, #tpu.memory_space<semaphore_mem>>
        %dma_start3A_357 = arith.constant 0 : i32
        %dma_start3A_358 = arith.constant 0 : i32
        %dma_start3A_359 = tpu.memref_slice %arg9[%run_scoped3A_354, %dma_start3A_357, %dma_start3A_358] : memref<2x128x128xf32, #tpu.memory_space<vmem>> -> memref<1x128x128xf32, #tpu.memory_space<vmem>>
        %dma_start3A_360 = tpu.memref_squeeze %dma_start3A_359 : memref<1x128x128xf32, #tpu.memory_space<vmem>> -> memref<128x128xf32, #tpu.memory_space<vmem>>
        %dma_start3A_361 = arith.constant 0 : i32
        %dma_start3A_362 = tpu.memref_slice %arg5[%add3A_353, %dma_start3A_361] : memref<40960x128xf32, #tpu.memory_space<hbm>> -> memref<128x128xf32, #tpu.memory_space<hbm>>
        %dma_start3A_363 = arith.constant 0 : i32
        %dma_start3A_364 = tpu.memref_slice %arg5[%add3A_353, %dma_start3A_363] : memref<40960x128xf32, #tpu.memory_space<hbm>> -> memref<128x128xf32, #tpu.memory_space<hbm>>
        %dma_start3A_365 = arith.constant 0 : i32
        %dma_start3A_366 = arith.constant 0 : i32
        %dma_start3A_367 = tpu.memref_slice %arg9[%run_scoped3A_354, %dma_start3A_365, %dma_start3A_366] : memref<2x128x128xf32, #tpu.memory_space<vmem>> -> memref<1x128x128xf32, #tpu.memory_space<vmem>>
        %dma_start3A_368 = tpu.memref_squeeze %dma_start3A_367 : memref<1x128x128xf32, #tpu.memory_space<vmem>> -> memref<128x128xf32, #tpu.memory_space<vmem>>
        tpu.enqueue_dma source(%dma_start3A_368 : memref<128x128xf32, #tpu.memory_space<vmem>>) target(%dma_start3A_364 : memref<128x128xf32, #tpu.memory_space<hbm>>) target_semaphore(%run_scoped3A_356 : memref<!tpu.dma_semaphore, #tpu.memory_space<semaphore_mem>>)
        %dma_wait3A_369 = arith.constant 0 : i32
        %dma_wait3A_370 = arith.constant 0 : i32
        %dma_wait3A_371 = tpu.memref_slice %arg9[%run_scoped3A_354, %dma_wait3A_369, %dma_wait3A_370] : memref<2x128x128xf32, #tpu.memory_space<vmem>> -> memref<1x128x128xf32, #tpu.memory_space<vmem>>
        %dma_wait3A_372 = tpu.memref_squeeze %dma_wait3A_371 : memref<1x128x128xf32, #tpu.memory_space<vmem>> -> memref<128x128xf32, #tpu.memory_space<vmem>>
        %dma_wait3A_373 = arith.constant 0 : i32
        %dma_wait3A_374 = tpu.memref_slice %arg5[%add3A_353, %dma_wait3A_373] : memref<40960x128xf32, #tpu.memory_space<hbm>> -> memref<128x128xf32, #tpu.memory_space<hbm>>
        %dma_wait3A_375 = arith.constant 0 : i32
        %dma_wait3A_376 = tpu.memref_slice %arg5[%add3A_353, %dma_wait3A_375] : memref<40960x128xf32, #tpu.memory_space<hbm>> -> memref<128x128xf32, #tpu.memory_space<hbm>>
        %dma_wait3A_377 = arith.constant 0 : i32
        %dma_wait3A_378 = arith.constant 0 : i32
        %dma_wait3A_379 = tpu.memref_slice %arg9[%run_scoped3A_354, %dma_wait3A_377, %dma_wait3A_378] : memref<2x128x128xf32, #tpu.memory_space<vmem>> -> memref<1x128x128xf32, #tpu.memory_space<vmem>>
        %dma_wait3A_380 = tpu.memref_squeeze %dma_wait3A_379 : memref<1x128x128xf32, #tpu.memory_space<vmem>> -> memref<128x128xf32, #tpu.memory_space<vmem>>
        tpu.wait_dma2 semaphore(%run_scoped3A_356 : memref<!tpu.dma_semaphore, #tpu.memory_space<semaphore_mem>>) src(%dma_wait3A_380 : memref<128x128xf32, #tpu.memory_space<vmem>>) dst(%dma_wait3A_376 : memref<128x128xf32, #tpu.memory_space<hbm>>)
        tpu.yield
      }) : () -> ()
      %scan3A_355 = arith.constant 0 : i32
      scf.yield %scan3A_355 : i32
    }
    %scan3A_162 = arith.constant 5 : i32
    %barrier3A_163 = arith.constant 0 : index
    tpu.barrier barrier_id(%barrier3A_163)
    %run_scoped3A_164 = arith.constant 0 : i32
    "tpu.region"() ({
      %run_scoped3A_336 = tpu.sem_alloc : memref<!tpu.dma_semaphore, #tpu.memory_space<semaphore_mem>>
      %dma_start3A_337 = arith.constant 0 : i32
      %dma_start3A_338 = arith.constant 0 : i32
      %dma_start3A_339 = tpu.memref_slice %arg9[%run_scoped3A_164, %dma_start3A_337, %dma_start3A_338] : memref<2x128x128xf32, #tpu.memory_space<vmem>> -> memref<1x128x128xf32, #tpu.memory_space<vmem>>
      %dma_start3A_340 = tpu.memref_squeeze %dma_start3A_339 : memref<1x128x128xf32, #tpu.memory_space<vmem>> -> memref<128x128xf32, #tpu.memory_space<vmem>>
      %dma_start3A_341 = arith.constant 10000 : i32
      %dma_start3A_342 = arith.constant 0 : i32
      %dma_start3A_343 = tpu.memref_slice %arg2[%dma_start3A_341, %dma_start3A_342] : memref<40960x128xf32, #tpu.memory_space<hbm>> -> memref<128x128xf32, #tpu.memory_space<hbm>>
      %dma_start3A_344 = arith.constant 0 : i32
      %dma_start3A_345 = arith.constant 0 : i32
      %dma_start3A_346 = tpu.memref_slice %arg9[%run_scoped3A_164, %dma_start3A_344, %dma_start3A_345] : memref<2x128x128xf32, #tpu.memory_space<vmem>> -> memref<1x128x128xf32, #tpu.memory_space<vmem>>
      %dma_start3A_347 = tpu.memref_squeeze %dma_start3A_346 : memref<1x128x128xf32, #tpu.memory_space<vmem>> -> memref<128x128xf32, #tpu.memory_space<vmem>>
      %dma_start3A_348 = arith.constant 10000 : i32
      %dma_start3A_349 = arith.constant 0 : i32
      %dma_start3A_350 = tpu.memref_slice %arg2[%dma_start3A_348, %dma_start3A_349] : memref<40960x128xf32, #tpu.memory_space<hbm>> -> memref<128x128xf32, #tpu.memory_space<hbm>>
      tpu.enqueue_dma source(%dma_start3A_350 : memref<128x128xf32, #tpu.memory_space<hbm>>) target(%dma_start3A_347 : memref<128x128xf32, #tpu.memory_space<vmem>>) target_semaphore(%run_scoped3A_336 : memref<!tpu.dma_semaphore, #tpu.memory_space<semaphore_mem>>)
      %dma_wait3A_351 = arith.constant 0 : i32
      %dma_wait3A_352 = arith.constant 0 : i32
      %dma_wait3A_353 = tpu.memref_slice %arg9[%run_scoped3A_164, %dma_wait3A_351, %dma_wait3A_352] : memref<2x128x128xf32, #tpu.memory_space<vmem>> -> memref<1x128x128xf32, #tpu.memory_space<vmem>>
      %dma_wait3A_354 = tpu.memref_squeeze %dma_wait3A_353 : memref<1x128x128xf32, #tpu.memory_space<vmem>> -> memref<128x128xf32, #tpu.memory_space<vmem>>
      %dma_wait3A_355 = arith.constant 10000 : i32
      %dma_wait3A_356 = arith.constant 0 : i32
      %dma_wait3A_357 = tpu.memref_slice %arg2[%dma_wait3A_355, %dma_wait3A_356] : memref<40960x128xf32, #tpu.memory_space<hbm>> -> memref<128x128xf32, #tpu.memory_space<hbm>>
      %dma_wait3A_358 = arith.constant 0 : i32
      %dma_wait3A_359 = arith.constant 0 : i32
      %dma_wait3A_360 = tpu.memref_slice %arg9[%run_scoped3A_164, %dma_wait3A_358, %dma_wait3A_359] : memref<2x128x128xf32, #tpu.memory_space<vmem>> -> memref<1x128x128xf32, #tpu.memory_space<vmem>>
      %dma_wait3A_361 = tpu.memref_squeeze %dma_wait3A_360 : memref<1x128x128xf32, #tpu.memory_space<vmem>> -> memref<128x128xf32, #tpu.memory_space<vmem>>
      %dma_wait3A_362 = arith.constant 10000 : i32
      %dma_wait3A_363 = arith.constant 0 : i32
      %dma_wait3A_364 = tpu.memref_slice %arg2[%dma_wait3A_362, %dma_wait3A_363] : memref<40960x128xf32, #tpu.memory_space<hbm>> -> memref<128x128xf32, #tpu.memory_space<hbm>>
      tpu.wait_dma2 semaphore(%run_scoped3A_336 : memref<!tpu.dma_semaphore, #tpu.memory_space<semaphore_mem>>) src(%dma_wait3A_364 : memref<128x128xf32, #tpu.memory_space<hbm>>) dst(%dma_wait3A_361 : memref<128x128xf32, #tpu.memory_space<vmem>>)
      tpu.yield
    }) : () -> ()
    %scan3A_165 = arith.constant 0 : i32
    %scan3A_166 = arith.constant 0 : i32
    %scan3A_167 = arith.constant 5 : i32
    %scan3A_168 = arith.addi %scan3A_166, %scan3A_167 : i32
    %scan3A_169 = arith.constant 1 : i32
    %scan3A_170 = scf.for %scan3A_336 = %scan3A_166 to %scan3A_168 step %scan3A_169 iter_args(%scan3A_337 = %scan3A_165) -> (i32)  : i32 {
      %mul3A_338 = arith.constant 640 : i32
      %mul3A_339 = arith.muli %arg1, %mul3A_338 : i32
      %mul3A_340 = arith.constant 128 : i32
      %mul3A_341 = arith.muli %scan3A_336, %mul3A_340 : i32
      %add3A_342 = arith.addi %mul3A_339, %mul3A_341 : i32
      %run_scoped3A_343 = arith.constant 0 : i32
      "tpu.region"() ({
        %run_scoped3A_345 = tpu.sem_alloc : memref<!tpu.dma_semaphore, #tpu.memory_space<semaphore_mem>>
        %dma_start3A_346 = arith.constant 0 : i32
        %dma_start3A_347 = arith.constant 0 : i32
        %dma_start3A_348 = tpu.memref_slice %arg9[%run_scoped3A_343, %dma_start3A_346, %dma_start3A_347] : memref<2x128x128xf32, #tpu.memory_space<vmem>> -> memref<1x128x128xf32, #tpu.memory_space<vmem>>
        %dma_start3A_349 = tpu.memref_squeeze %dma_start3A_348 : memref<1x128x128xf32, #tpu.memory_space<vmem>> -> memref<128x128xf32, #tpu.memory_space<vmem>>
        %dma_start3A_350 = arith.constant 0 : i32
        %dma_start3A_351 = tpu.memref_slice %arg6[%add3A_342, %dma_start3A_350] : memref<10240x128xf32, #tpu.memory_space<vmem_shared>> -> memref<128x128xf32, #tpu.memory_space<vmem_shared>>
        %dma_start3A_352 = arith.constant 0 : i32
        %dma_start3A_353 = tpu.memref_slice %arg6[%add3A_342, %dma_start3A_352] : memref<10240x128xf32, #tpu.memory_space<vmem_shared>> -> memref<128x128xf32, #tpu.memory_space<vmem_shared>>
        %dma_start3A_354 = arith.constant 0 : i32
        %dma_start3A_355 = arith.constant 0 : i32
        %dma_start3A_356 = tpu.memref_slice %arg9[%run_scoped3A_343, %dma_start3A_354, %dma_start3A_355] : memref<2x128x128xf32, #tpu.memory_space<vmem>> -> memref<1x128x128xf32, #tpu.memory_space<vmem>>
        %dma_start3A_357 = tpu.memref_squeeze %dma_start3A_356 : memref<1x128x128xf32, #tpu.memory_space<vmem>> -> memref<128x128xf32, #tpu.memory_space<vmem>>
        tpu.enqueue_dma source(%dma_start3A_357 : memref<128x128xf32, #tpu.memory_space<vmem>>) target(%dma_start3A_353 : memref<128x128xf32, #tpu.memory_space<vmem_shared>>) target_semaphore(%run_scoped3A_345 : memref<!tpu.dma_semaphore, #tpu.memory_space<semaphore_mem>>)
        %dma_wait3A_358 = arith.constant 0 : i32
        %dma_wait3A_359 = arith.constant 0 : i32
        %dma_wait3A_360 = tpu.memref_slice %arg9[%run_scoped3A_343, %dma_wait3A_358, %dma_wait3A_359] : memref<2x128x128xf32, #tpu.memory_space<vmem>> -> memref<1x128x128xf32, #tpu.memory_space<vmem>>
        %dma_wait3A_361 = tpu.memref_squeeze %dma_wait3A_360 : memref<1x128x128xf32, #tpu.memory_space<vmem>> -> memref<128x128xf32, #tpu.memory_space<vmem>>
        %dma_wait3A_362 = arith.constant 0 : i32
        %dma_wait3A_363 = tpu.memref_slice %arg6[%add3A_342, %dma_wait3A_362] : memref<10240x128xf32, #tpu.memory_space<vmem_shared>> -> memref<128x128xf32, #tpu.memory_space<vmem_shared>>
        %dma_wait3A_364 = arith.constant 0 : i32
        %dma_wait3A_365 = tpu.memref_slice %arg6[%add3A_342, %dma_wait3A_364] : memref<10240x128xf32, #tpu.memory_space<vmem_shared>> -> memref<128x128xf32, #tpu.memory_space<vmem_shared>>
        %dma_wait3A_366 = arith.constant 0 : i32
        %dma_wait3A_367 = arith.constant 0 : i32
        %dma_wait3A_368 = tpu.memref_slice %arg9[%run_scoped3A_343, %dma_wait3A_366, %dma_wait3A_367] : memref<2x128x128xf32, #tpu.memory_space<vmem>> -> memref<1x128x128xf32, #tpu.memory_space<vmem>>
        %dma_wait3A_369 = tpu.memref_squeeze %dma_wait3A_368 : memref<1x128x128xf32, #tpu.memory_space<vmem>> -> memref<128x128xf32, #tpu.memory_space<vmem>>
        tpu.wait_dma2 semaphore(%run_scoped3A_345 : memref<!tpu.dma_semaphore, #tpu.memory_space<semaphore_mem>>) src(%dma_wait3A_369 : memref<128x128xf32, #tpu.memory_space<vmem>>) dst(%dma_wait3A_365 : memref<128x128xf32, #tpu.memory_space<vmem_shared>>)
        tpu.yield
      }) : () -> ()
      %scan3A_344 = arith.constant 0 : i32
      scf.yield %scan3A_344 : i32
    }
    %scan3A_171 = arith.constant 5 : i32
    %barrier3A_172 = arith.constant 0 : index
    tpu.barrier barrier_id(%barrier3A_172)
    %rem3A_173 = arith.constant 0 : i32
    %rem3A_174 = arith.constant 4 : i32
    %rem3A_175 = arith.remsi %rem3A_173, %rem3A_174 : i32
    %add3A_176 = arith.constant 2 : i32
    %add3A_177 = arith.addi %add3A_176, %arg0 : i32
    %mul3A_178 = arith.constant 163840 : i32
    %mul3A_179 = arith.muli %add3A_177, %mul3A_178 : i32
    %mul3A_180 = arith.constant 80 : i32
    %mul3A_181 = arith.muli %arg1, %mul3A_180 : i32
    %add3A_182 = arith.constant 0 : i32
    %add3A_183 = arith.addi %mul3A_181, %add3A_182 : i32
    %mul3A_184 = arith.constant 128 : i32
    %mul3A_185 = arith.muli %add3A_183, %mul3A_184 : i32
    %add3A_186 = arith.addi %mul3A_179, %mul3A_185 : i32
    %dma_start3A_187 = arith.constant 0 : i32
    %dma_start3A_188 = tpu.memref_slice %arg7[%rem3A_175, %dma_start3A_187] : memref<4x128xi32, #tpu.memory_space<vmem>> -> memref<1x128xi32, #tpu.memory_space<vmem>>
    %dma_start3A_189 = tpu.memref_squeeze %dma_start3A_188 : memref<1x128xi32, #tpu.memory_space<vmem>> -> memref<128xi32, #tpu.memory_space<vmem>>
    %dma_start3A_190 = tpu.memref_slice %arg3[%add3A_186] : memref<655360xi32, #tpu.memory_space<hbm>> -> memref<128xi32, #tpu.memory_space<hbm>>
    %dma_start3A_191 = tpu.memref_slice %arg11[%rem3A_175] : memref<4x!tpu.dma_semaphore, #tpu.memory_space<semaphore_mem>> -> memref<1x!tpu.dma_semaphore, #tpu.memory_space<semaphore_mem>>
    %dma_start3A_192 = tpu.memref_squeeze %dma_start3A_191 : memref<1x!tpu.dma_semaphore, #tpu.memory_space<semaphore_mem>> -> memref<!tpu.dma_semaphore, #tpu.memory_space<semaphore_mem>>
    %dma_start3A_193 = arith.constant 0 : i32
    %dma_start3A_194 = tpu.memref_slice %arg7[%rem3A_175, %dma_start3A_193] : memref<4x128xi32, #tpu.memory_space<vmem>> -> memref<1x128xi32, #tpu.memory_space<vmem>>
    %dma_start3A_195 = tpu.memref_squeeze %dma_start3A_194 : memref<1x128xi32, #tpu.memory_space<vmem>> -> memref<128xi32, #tpu.memory_space<vmem>>
    %dma_start3A_196 = tpu.memref_slice %arg3[%add3A_186] : memref<655360xi32, #tpu.memory_space<hbm>> -> memref<128xi32, #tpu.memory_space<hbm>>
    tpu.enqueue_dma source(%dma_start3A_196 : memref<128xi32, #tpu.memory_space<hbm>>) target(%dma_start3A_195 : memref<128xi32, #tpu.memory_space<vmem>>) target_semaphore(%dma_start3A_192 : memref<!tpu.dma_semaphore, #tpu.memory_space<semaphore_mem>>)
    %dma_start3A_197 = arith.constant 0 : i32
    %dma_start3A_198 = tpu.memref_slice %arg8[%rem3A_175, %dma_start3A_197] : memref<4x128xi32, #tpu.memory_space<vmem>> -> memref<1x128xi32, #tpu.memory_space<vmem>>
    %dma_start3A_199 = tpu.memref_squeeze %dma_start3A_198 : memref<1x128xi32, #tpu.memory_space<vmem>> -> memref<128xi32, #tpu.memory_space<vmem>>
    %dma_start3A_200 = tpu.memref_slice %arg4[%mul3A_185] : memref<163840xi32, #tpu.memory_space<hbm>> -> memref<128xi32, #tpu.memory_space<hbm>>
    %dma_start3A_201 = tpu.memref_slice %arg12[%rem3A_175] : memref<4x!tpu.dma_semaphore, #tpu.memory_space<semaphore_mem>> -> memref<1x!tpu.dma_semaphore, #tpu.memory_space<semaphore_mem>>
    %dma_start3A_202 = tpu.memref_squeeze %dma_start3A_201 : memref<1x!tpu.dma_semaphore, #tpu.memory_space<semaphore_mem>> -> memref<!tpu.dma_semaphore, #tpu.memory_space<semaphore_mem>>
    %dma_start3A_203 = arith.constant 0 : i32
    %dma_start3A_204 = tpu.memref_slice %arg8[%rem3A_175, %dma_start3A_203] : memref<4x128xi32, #tpu.memory_space<vmem>> -> memref<1x128xi32, #tpu.memory_space<vmem>>
    %dma_start3A_205 = tpu.memref_squeeze %dma_start3A_204 : memref<1x128xi32, #tpu.memory_space<vmem>> -> memref<128xi32, #tpu.memory_space<vmem>>
    %dma_start3A_206 = tpu.memref_slice %arg4[%mul3A_185] : memref<163840xi32, #tpu.memory_space<hbm>> -> memref<128xi32, #tpu.memory_space<hbm>>
    tpu.enqueue_dma source(%dma_start3A_206 : memref<128xi32, #tpu.memory_space<hbm>>) target(%dma_start3A_205 : memref<128xi32, #tpu.memory_space<vmem>>) target_semaphore(%dma_start3A_202 : memref<!tpu.dma_semaphore, #tpu.memory_space<semaphore_mem>>)
    %rem3A_207 = arith.constant 1 : i32
    %rem3A_208 = arith.constant 4 : i32
    %rem3A_209 = arith.remsi %rem3A_207, %rem3A_208 : i32
    %add3A_210 = arith.constant 2 : i32
    %add3A_211 = arith.addi %add3A_210, %arg0 : i32
    %mul3A_212 = arith.constant 163840 : i32
    %mul3A_213 = arith.muli %add3A_211, %mul3A_212 : i32
    %mul3A_214 = arith.constant 80 : i32
    %mul3A_215 = arith.muli %arg1, %mul3A_214 : i32
    %add3A_216 = arith.constant 1 : i32
    %add3A_217 = arith.addi %mul3A_215, %add3A_216 : i32
    %mul3A_218 = arith.constant 128 : i32
    %mul3A_219 = arith.muli %add3A_217, %mul3A_218 : i32
    %add3A_220 = arith.addi %mul3A_213, %mul3A_219 : i32
    %dma_start3A_221 = arith.constant 0 : i32
    %dma_start3A_222 = tpu.memref_slice %arg7[%rem3A_209, %dma_start3A_221] : memref<4x128xi32, #tpu.memory_space<vmem>> -> memref<1x128xi32, #tpu.memory_space<vmem>>
    %dma_start3A_223 = tpu.memref_squeeze %dma_start3A_222 : memref<1x128xi32, #tpu.memory_space<vmem>> -> memref<128xi32, #tpu.memory_space<vmem>>
    %dma_start3A_224 = tpu.memref_slice %arg3[%add3A_220] : memref<655360xi32, #tpu.memory_space<hbm>> -> memref<128xi32, #tpu.memory_space<hbm>>
    %dma_start3A_225 = tpu.memref_slice %arg11[%rem3A_209] : memref<4x!tpu.dma_semaphore, #tpu.memory_space<semaphore_mem>> -> memref<1x!tpu.dma_semaphore, #tpu.memory_space<semaphore_mem>>
    %dma_start3A_226 = tpu.memref_squeeze %dma_start3A_225 : memref<1x!tpu.dma_semaphore, #tpu.memory_space<semaphore_mem>> -> memref<!tpu.dma_semaphore, #tpu.memory_space<semaphore_mem>>
    %dma_start3A_227 = arith.constant 0 : i32
    %dma_start3A_228 = tpu.memref_slice %arg7[%rem3A_209, %dma_start3A_227] : memref<4x128xi32, #tpu.memory_space<vmem>> -> memref<1x128xi32, #tpu.memory_space<vmem>>
    %dma_start3A_229 = tpu.memref_squeeze %dma_start3A_228 : memref<1x128xi32, #tpu.memory_space<vmem>> -> memref<128xi32, #tpu.memory_space<vmem>>
    %dma_start3A_230 = tpu.memref_slice %arg3[%add3A_220] : memref<655360xi32, #tpu.memory_space<hbm>> -> memref<128xi32, #tpu.memory_space<hbm>>
    tpu.enqueue_dma source(%dma_start3A_230 : memref<128xi32, #tpu.memory_space<hbm>>) target(%dma_start3A_229 : memref<128xi32, #tpu.memory_space<vmem>>) target_semaphore(%dma_start3A_226 : memref<!tpu.dma_semaphore, #tpu.memory_space<semaphore_mem>>)
    %dma_start3A_231 = arith.constant 0 : i32
    %dma_start3A_232 = tpu.memref_slice %arg8[%rem3A_209, %dma_start3A_231] : memref<4x128xi32, #tpu.memory_space<vmem>> -> memref<1x128xi32, #tpu.memory_space<vmem>>
    %dma_start3A_233 = tpu.memref_squeeze %dma_start3A_232 : memref<1x128xi32, #tpu.memory_space<vmem>> -> memref<128xi32, #tpu.memory_space<vmem>>
    %dma_start3A_234 = tpu.memref_slice %arg4[%mul3A_219] : memref<163840xi32, #tpu.memory_space<hbm>> -> memref<128xi32, #tpu.memory_space<hbm>>
    %dma_start3A_235 = tpu.memref_slice %arg12[%rem3A_209] : memref<4x!tpu.dma_semaphore, #tpu.memory_space<semaphore_mem>> -> memref<1x!tpu.dma_semaphore, #tpu.memory_space<semaphore_mem>>
    %dma_start3A_236 = tpu.memref_squeeze %dma_start3A_235 : memref<1x!tpu.dma_semaphore, #tpu.memory_space<semaphore_mem>> -> memref<!tpu.dma_semaphore, #tpu.memory_space<semaphore_mem>>
    %dma_start3A_237 = arith.constant 0 : i32
    %dma_start3A_238 = tpu.memref_slice %arg8[%rem3A_209, %dma_start3A_237] : memref<4x128xi32, #tpu.memory_space<vmem>> -> memref<1x128xi32, #tpu.memory_space<vmem>>
    %dma_start3A_239 = tpu.memref_squeeze %dma_start3A_238 : memref<1x128xi32, #tpu.memory_space<vmem>> -> memref<128xi32, #tpu.memory_space<vmem>>
    %dma_start3A_240 = tpu.memref_slice %arg4[%mul3A_219] : memref<163840xi32, #tpu.memory_space<hbm>> -> memref<128xi32, #tpu.memory_space<hbm>>
    tpu.enqueue_dma source(%dma_start3A_240 : memref<128xi32, #tpu.memory_space<hbm>>) target(%dma_start3A_239 : memref<128xi32, #tpu.memory_space<vmem>>) target_semaphore(%dma_start3A_236 : memref<!tpu.dma_semaphore, #tpu.memory_space<semaphore_mem>>)
    %rem3A_241 = arith.constant 2 : i32
    %rem3A_242 = arith.constant 4 : i32
    %rem3A_243 = arith.remsi %rem3A_241, %rem3A_242 : i32
    %add3A_244 = arith.constant 2 : i32
    %add3A_245 = arith.addi %add3A_244, %arg0 : i32
    %mul3A_246 = arith.constant 163840 : i32
    %mul3A_247 = arith.muli %add3A_245, %mul3A_246 : i32
    %mul3A_248 = arith.constant 80 : i32
    %mul3A_249 = arith.muli %arg1, %mul3A_248 : i32
    %add3A_250 = arith.constant 2 : i32
    %add3A_251 = arith.addi %mul3A_249, %add3A_250 : i32
    %mul3A_252 = arith.constant 128 : i32
    %mul3A_253 = arith.muli %add3A_251, %mul3A_252 : i32
    %add3A_254 = arith.addi %mul3A_247, %mul3A_253 : i32
    %dma_start3A_255 = arith.constant 0 : i32
    %dma_start3A_256 = tpu.memref_slice %arg7[%rem3A_243, %dma_start3A_255] : memref<4x128xi32, #tpu.memory_space<vmem>> -> memref<1x128xi32, #tpu.memory_space<vmem>>
    %dma_start3A_257 = tpu.memref_squeeze %dma_start3A_256 : memref<1x128xi32, #tpu.memory_space<vmem>> -> memref<128xi32, #tpu.memory_space<vmem>>
    %dma_start3A_258 = tpu.memref_slice %arg3[%add3A_254] : memref<655360xi32, #tpu.memory_space<hbm>> -> memref<128xi32, #tpu.memory_space<hbm>>
    %dma_start3A_259 = tpu.memref_slice %arg11[%rem3A_243] : memref<4x!tpu.dma_semaphore, #tpu.memory_space<semaphore_mem>> -> memref<1x!tpu.dma_semaphore, #tpu.memory_space<semaphore_mem>>
    %dma_start3A_260 = tpu.memref_squeeze %dma_start3A_259 : memref<1x!tpu.dma_semaphore, #tpu.memory_space<semaphore_mem>> -> memref<!tpu.dma_semaphore, #tpu.memory_space<semaphore_mem>>
    %dma_start3A_261 = arith.constant 0 : i32
    %dma_start3A_262 = tpu.memref_slice %arg7[%rem3A_243, %dma_start3A_261] : memref<4x128xi32, #tpu.memory_space<vmem>> -> memref<1x128xi32, #tpu.memory_space<vmem>>
    %dma_start3A_263 = tpu.memref_squeeze %dma_start3A_262 : memref<1x128xi32, #tpu.memory_space<vmem>> -> memref<128xi32, #tpu.memory_space<vmem>>
    %dma_start3A_264 = tpu.memref_slice %arg3[%add3A_254] : memref<655360xi32, #tpu.memory_space<hbm>> -> memref<128xi32, #tpu.memory_space<hbm>>
    tpu.enqueue_dma source(%dma_start3A_264 : memref<128xi32, #tpu.memory_space<hbm>>) target(%dma_start3A_263 : memref<128xi32, #tpu.memory_space<vmem>>) target_semaphore(%dma_start3A_260 : memref<!tpu.dma_semaphore, #tpu.memory_space<semaphore_mem>>)
    %dma_start3A_265 = arith.constant 0 : i32
    %dma_start3A_266 = tpu.memref_slice %arg8[%rem3A_243, %dma_start3A_265] : memref<4x128xi32, #tpu.memory_space<vmem>> -> memref<1x128xi32, #tpu.memory_space<vmem>>
    %dma_start3A_267 = tpu.memref_squeeze %dma_start3A_266 : memref<1x128xi32, #tpu.memory_space<vmem>> -> memref<128xi32, #tpu.memory_space<vmem>>
    %dma_start3A_268 = tpu.memref_slice %arg4[%mul3A_253] : memref<163840xi32, #tpu.memory_space<hbm>> -> memref<128xi32, #tpu.memory_space<hbm>>
    %dma_start3A_269 = tpu.memref_slice %arg12[%rem3A_243] : memref<4x!tpu.dma_semaphore, #tpu.memory_space<semaphore_mem>> -> memref<1x!tpu.dma_semaphore, #tpu.memory_space<semaphore_mem>>
    %dma_start3A_270 = tpu.memref_squeeze %dma_start3A_269 : memref<1x!tpu.dma_semaphore, #tpu.memory_space<semaphore_mem>> -> memref<!tpu.dma_semaphore, #tpu.memory_space<semaphore_mem>>
    %dma_start3A_271 = arith.constant 0 : i32
    %dma_start3A_272 = tpu.memref_slice %arg8[%rem3A_243, %dma_start3A_271] : memref<4x128xi32, #tpu.memory_space<vmem>> -> memref<1x128xi32, #tpu.memory_space<vmem>>
    %dma_start3A_273 = tpu.memref_squeeze %dma_start3A_272 : memref<1x128xi32, #tpu.memory_space<vmem>> -> memref<128xi32, #tpu.memory_space<vmem>>
    %dma_start3A_274 = tpu.memref_slice %arg4[%mul3A_253] : memref<163840xi32, #tpu.memory_space<hbm>> -> memref<128xi32, #tpu.memory_space<hbm>>
    tpu.enqueue_dma source(%dma_start3A_274 : memref<128xi32, #tpu.memory_space<hbm>>) target(%dma_start3A_273 : memref<128xi32, #tpu.memory_space<vmem>>) target_semaphore(%dma_start3A_270 : memref<!tpu.dma_semaphore, #tpu.memory_space<semaphore_mem>>)
    %rem3A_275 = arith.constant 0 : i32
    %rem3A_276 = arith.constant 4 : i32
    %rem3A_277 = arith.remsi %rem3A_275, %rem3A_276 : i32
    %dma_wait3A_278 = arith.constant 0 : i32
    %dma_wait3A_279 = tpu.memref_slice %arg7[%rem3A_277, %dma_wait3A_278] : memref<4x128xi32, #tpu.memory_space<vmem>> -> memref<1x128xi32, #tpu.memory_space<vmem>>
    %dma_wait3A_280 = tpu.memref_squeeze %dma_wait3A_279 : memref<1x128xi32, #tpu.memory_space<vmem>> -> memref<128xi32, #tpu.memory_space<vmem>>
    %dma_wait3A_281 = arith.constant 0 : i32
    %dma_wait3A_282 = tpu.memref_slice %arg3[%dma_wait3A_281] : memref<655360xi32, #tpu.memory_space<hbm>> -> memref<128xi32, #tpu.memory_space<hbm>>
    %dma_wait3A_283 = tpu.memref_slice %arg11[%rem3A_277] : memref<4x!tpu.dma_semaphore, #tpu.memory_space<semaphore_mem>> -> memref<1x!tpu.dma_semaphore, #tpu.memory_space<semaphore_mem>>
    %dma_wait3A_284 = tpu.memref_squeeze %dma_wait3A_283 : memref<1x!tpu.dma_semaphore, #tpu.memory_space<semaphore_mem>> -> memref<!tpu.dma_semaphore, #tpu.memory_space<semaphore_mem>>
    %dma_wait3A_285 = arith.constant 0 : i32
    %dma_wait3A_286 = tpu.memref_slice %arg7[%rem3A_277, %dma_wait3A_285] : memref<4x128xi32, #tpu.memory_space<vmem>> -> memref<1x128xi32, #tpu.memory_space<vmem>>
    %dma_wait3A_287 = tpu.memref_squeeze %dma_wait3A_286 : memref<1x128xi32, #tpu.memory_space<vmem>> -> memref<128xi32, #tpu.memory_space<vmem>>
    %dma_wait3A_288 = arith.constant 0 : i32
    %dma_wait3A_289 = tpu.memref_slice %arg3[%dma_wait3A_288] : memref<655360xi32, #tpu.memory_space<hbm>> -> memref<128xi32, #tpu.memory_space<hbm>>
    tpu.wait_dma2 semaphore(%dma_wait3A_284 : memref<!tpu.dma_semaphore, #tpu.memory_space<semaphore_mem>>) src(%dma_wait3A_289 : memref<128xi32, #tpu.memory_space<hbm>>) dst(%dma_wait3A_287 : memref<128xi32, #tpu.memory_space<vmem>>)
    %dma_wait3A_290 = arith.constant 0 : i32
    %dma_wait3A_291 = tpu.memref_slice %arg8[%rem3A_277, %dma_wait3A_290] : memref<4x128xi32, #tpu.memory_space<vmem>> -> memref<1x128xi32, #tpu.memory_space<vmem>>
    %dma_wait3A_292 = tpu.memref_squeeze %dma_wait3A_291 : memref<1x128xi32, #tpu.memory_space<vmem>> -> memref<128xi32, #tpu.memory_space<vmem>>
    %dma_wait3A_293 = arith.constant 0 : i32
    %dma_wait3A_294 = tpu.memref_slice %arg4[%dma_wait3A_293] : memref<163840xi32, #tpu.memory_space<hbm>> -> memref<128xi32, #tpu.memory_space<hbm>>
    %dma_wait3A_295 = tpu.memref_slice %arg12[%rem3A_277] : memref<4x!tpu.dma_semaphore, #tpu.memory_space<semaphore_mem>> -> memref<1x!tpu.dma_semaphore, #tpu.memory_space<semaphore_mem>>
    %dma_wait3A_296 = tpu.memref_squeeze %dma_wait3A_295 : memref<1x!tpu.dma_semaphore, #tpu.memory_space<semaphore_mem>> -> memref<!tpu.dma_semaphore, #tpu.memory_space<semaphore_mem>>
    %dma_wait3A_297 = arith.constant 0 : i32
    %dma_wait3A_298 = tpu.memref_slice %arg8[%rem3A_277, %dma_wait3A_297] : memref<4x128xi32, #tpu.memory_space<vmem>> -> memref<1x128xi32, #tpu.memory_space<vmem>>
    %dma_wait3A_299 = tpu.memref_squeeze %dma_wait3A_298 : memref<1x128xi32, #tpu.memory_space<vmem>> -> memref<128xi32, #tpu.memory_space<vmem>>
    %dma_wait3A_300 = arith.constant 0 : i32
    %dma_wait3A_301 = tpu.memref_slice %arg4[%dma_wait3A_300] : memref<163840xi32, #tpu.memory_space<hbm>> -> memref<128xi32, #tpu.memory_space<hbm>>
    tpu.wait_dma2 semaphore(%dma_wait3A_296 : memref<!tpu.dma_semaphore, #tpu.memory_space<semaphore_mem>>) src(%dma_wait3A_301 : memref<128xi32, #tpu.memory_space<hbm>>) dst(%dma_wait3A_299 : memref<128xi32, #tpu.memory_space<vmem>>)
    %rem3A_302 = arith.constant 0 : i32
    %rem3A_303 = arith.constant 4 : i32
    %rem3A_304 = arith.remsi %rem3A_302, %rem3A_303 : i32
    %rem3A_305 = arith.constant 0 : i32
    %rem3A_306 = arith.constant 2 : i32
    %rem3A_307 = arith.remsi %rem3A_305, %rem3A_306 : i32
    %dma_start3A_308 = arith.constant 0 : i32
    %dma_start3A_309 = arith.constant 0 : i32
    %dma_start3A_310 = tpu.memref_slice %arg9[%rem3A_307, %dma_start3A_308, %dma_start3A_309] : memref<2x128x128xf32, #tpu.memory_space<vmem>> -> memref<1x128x128xf32, #tpu.memory_space<vmem>>
    %dma_start3A_311 = tpu.memref_squeeze %dma_start3A_310 : memref<1x128x128xf32, #tpu.memory_space<vmem>> -> memref<128x128xf32, #tpu.memory_space<vmem>>
    %dma_start3A_312 = arith.constant 0 : i32
    %dma_start3A_313 = tpu.memref_slice %arg7[%rem3A_304, %dma_start3A_312] : memref<4x128xi32, #tpu.memory_space<vmem>> -> memref<1x128xi32, #tpu.memory_space<vmem>>
    %dma_start3A_314 = tpu.memref_squeeze %dma_start3A_313 : memref<1x128xi32, #tpu.memory_space<vmem>> -> memref<128xi32, #tpu.memory_space<vmem>>
    %dma_start3A_315 = arith.constant 0 : i32
    %dma_start3A_316 = arith.constant 0 : i32
    %dma_start3A_317 = tpu.memref_slice %arg2[%dma_start3A_315, %dma_start3A_316] : memref<40960x128xf32, #tpu.memory_space<hbm>> -> memref<40960x128xf32, #tpu.memory_space<hbm>>
    %dma_start3A_318 = tpu.memref_slice %arg10[%rem3A_307] : memref<2x!tpu.dma_semaphore, #tpu.memory_space<semaphore_mem>> -> memref<1x!tpu.dma_semaphore, #tpu.memory_space<semaphore_mem>>
    %dma_start3A_319 = tpu.memref_squeeze %dma_start3A_318 : memref<1x!tpu.dma_semaphore, #tpu.memory_space<semaphore_mem>> -> memref<!tpu.dma_semaphore, #tpu.memory_space<semaphore_mem>>
    tpu.enqueue_indirect_dma source(%dma_start3A_317 : memref<40960x128xf32, #tpu.memory_space<hbm>>) target(%dma_start3A_311 : memref<128x128xf32, #tpu.memory_space<vmem>>) offsets(%dma_start3A_314 : memref<128xi32, #tpu.memory_space<vmem>>) semaphore(%dma_start3A_319 : memref<!tpu.dma_semaphore, #tpu.memory_space<semaphore_mem>>)
    %scan3A_320 = arith.constant 0 : i32
    %scan3A_321 = arith.constant 0 : i32
    %scan3A_322 = arith.constant 80 : i32
    %scan3A_323 = arith.addi %scan3A_321, %scan3A_322 : i32
    %scan3A_324 = arith.constant 1 : i32
    %scan3A_325 = scf.for %scan3A_336 = %scan3A_321 to %scan3A_323 step %scan3A_324 iter_args(%scan3A_337 = %scan3A_320) -> (i32)  : i32 {
      %add3A_338 = arith.constant 3 : i32
      %add3A_339 = arith.addi %scan3A_336, %add3A_338 : i32
      %lt3A = arith.constant 80 : i32
      %lt3A_340 = arith.cmpi slt, %add3A_339, %lt3A : i32
      %convert_element_type3A = arith.extui %lt3A_340 : i1 to i32
      %cond3A = arith.constant 0 : i32
      %cond3A_341 = arith.cmpi ne, %convert_element_type3A, %cond3A : i32
      scf.if %cond3A_341 {
        %add3A_370 = arith.constant 3 : i32
        %add3A_371 = arith.addi %scan3A_336, %add3A_370 : i32
        %rem3A_372 = arith.constant 4 : i32
        %rem3A_373 = arith.remsi %add3A_371, %rem3A_372 : i32
        %add3A_374 = arith.constant 2 : i32
        %add3A_375 = arith.addi %add3A_374, %arg0 : i32
        %mul3A_376 = arith.constant 163840 : i32
        %mul3A_377 = arith.muli %add3A_375, %mul3A_376 : i32
        %mul3A_378 = arith.constant 80 : i32
        %mul3A_379 = arith.muli %arg1, %mul3A_378 : i32
        %add3A_380 = arith.addi %mul3A_379, %add3A_371 : i32
        %mul3A_381 = arith.constant 128 : i32
        %mul3A_382 = arith.muli %add3A_380, %mul3A_381 : i32
        %add3A_383 = arith.addi %mul3A_377, %mul3A_382 : i32
        %dma_start3A_384 = arith.constant 0 : i32
        %dma_start3A_385 = tpu.memref_slice %arg7[%rem3A_373, %dma_start3A_384] : memref<4x128xi32, #tpu.memory_space<vmem>> -> memref<1x128xi32, #tpu.memory_space<vmem>>
        %dma_start3A_386 = tpu.memref_squeeze %dma_start3A_385 : memref<1x128xi32, #tpu.memory_space<vmem>> -> memref<128xi32, #tpu.memory_space<vmem>>
        %dma_start3A_387 = tpu.memref_slice %arg3[%add3A_383] : memref<655360xi32, #tpu.memory_space<hbm>> -> memref<128xi32, #tpu.memory_space<hbm>>
        %dma_start3A_388 = tpu.memref_slice %arg11[%rem3A_373] : memref<4x!tpu.dma_semaphore, #tpu.memory_space<semaphore_mem>> -> memref<1x!tpu.dma_semaphore, #tpu.memory_space<semaphore_mem>>
        %dma_start3A_389 = tpu.memref_squeeze %dma_start3A_388 : memref<1x!tpu.dma_semaphore, #tpu.memory_space<semaphore_mem>> -> memref<!tpu.dma_semaphore, #tpu.memory_space<semaphore_mem>>
        %dma_start3A_390 = arith.constant 0 : i32
        %dma_start3A_391 = tpu.memref_slice %arg7[%rem3A_373, %dma_start3A_390] : memref<4x128xi32, #tpu.memory_space<vmem>> -> memref<1x128xi32, #tpu.memory_space<vmem>>
        %dma_start3A_392 = tpu.memref_squeeze %dma_start3A_391 : memref<1x128xi32, #tpu.memory_space<vmem>> -> memref<128xi32, #tpu.memory_space<vmem>>
        %dma_start3A_393 = tpu.memref_slice %arg3[%add3A_383] : memref<655360xi32, #tpu.memory_space<hbm>> -> memref<128xi32, #tpu.memory_space<hbm>>
        tpu.enqueue_dma source(%dma_start3A_393 : memref<128xi32, #tpu.memory_space<hbm>>) target(%dma_start3A_392 : memref<128xi32, #tpu.memory_space<vmem>>) target_semaphore(%dma_start3A_389 : memref<!tpu.dma_semaphore, #tpu.memory_space<semaphore_mem>>)
        %dma_start3A_394 = arith.constant 0 : i32
        %dma_start3A_395 = tpu.memref_slice %arg8[%rem3A_373, %dma_start3A_394] : memref<4x128xi32, #tpu.memory_space<vmem>> -> memref<1x128xi32, #tpu.memory_space<vmem>>
        %dma_start3A_396 = tpu.memref_squeeze %dma_start3A_395 : memref<1x128xi32, #tpu.memory_space<vmem>> -> memref<128xi32, #tpu.memory_space<vmem>>
        %dma_start3A_397 = tpu.memref_slice %arg4[%mul3A_382] : memref<163840xi32, #tpu.memory_space<hbm>> -> memref<128xi32, #tpu.memory_space<hbm>>
        %dma_start3A_398 = tpu.memref_slice %arg12[%rem3A_373] : memref<4x!tpu.dma_semaphore, #tpu.memory_space<semaphore_mem>> -> memref<1x!tpu.dma_semaphore, #tpu.memory_space<semaphore_mem>>
        %dma_start3A_399 = tpu.memref_squeeze %dma_start3A_398 : memref<1x!tpu.dma_semaphore, #tpu.memory_space<semaphore_mem>> -> memref<!tpu.dma_semaphore, #tpu.memory_space<semaphore_mem>>
        %dma_start3A_400 = arith.constant 0 : i32
        %dma_start3A_401 = tpu.memref_slice %arg8[%rem3A_373, %dma_start3A_400] : memref<4x128xi32, #tpu.memory_space<vmem>> -> memref<1x128xi32, #tpu.memory_space<vmem>>
        %dma_start3A_402 = tpu.memref_squeeze %dma_start3A_401 : memref<1x128xi32, #tpu.memory_space<vmem>> -> memref<128xi32, #tpu.memory_space<vmem>>
        %dma_start3A_403 = tpu.memref_slice %arg4[%mul3A_382] : memref<163840xi32, #tpu.memory_space<hbm>> -> memref<128xi32, #tpu.memory_space<hbm>>
        tpu.enqueue_dma source(%dma_start3A_403 : memref<128xi32, #tpu.memory_space<hbm>>) target(%dma_start3A_402 : memref<128xi32, #tpu.memory_space<vmem>>) target_semaphore(%dma_start3A_399 : memref<!tpu.dma_semaphore, #tpu.memory_space<semaphore_mem>>)
      } else {
      }
      %add3A_342 = arith.constant 1 : i32
      %add3A_343 = arith.addi %scan3A_336, %add3A_342 : i32
      %lt3A_344 = arith.constant 80 : i32
      %lt3A_345 = arith.cmpi slt, %add3A_343, %lt3A_344 : i32
      %convert_element_type3A_346 = arith.extui %lt3A_345 : i1 to i32
      %cond3A_347 = arith.constant 0 : i32
      %cond3A_348 = arith.cmpi ne, %convert_element_type3A_346, %cond3A_347 : i32
      scf.if %cond3A_348 {
        %add3A_370 = arith.constant 1 : i32
        %add3A_371 = arith.addi %scan3A_336, %add3A_370 : i32
        %rem3A_372 = arith.constant 4 : i32
        %rem3A_373 = arith.remsi %add3A_371, %rem3A_372 : i32
        %dma_wait3A_374 = arith.constant 0 : i32
        %dma_wait3A_375 = tpu.memref_slice %arg7[%rem3A_373, %dma_wait3A_374] : memref<4x128xi32, #tpu.memory_space<vmem>> -> memref<1x128xi32, #tpu.memory_space<vmem>>
        %dma_wait3A_376 = tpu.memref_squeeze %dma_wait3A_375 : memref<1x128xi32, #tpu.memory_space<vmem>> -> memref<128xi32, #tpu.memory_space<vmem>>
        %dma_wait3A_377 = arith.constant 0 : i32
        %dma_wait3A_378 = tpu.memref_slice %arg3[%dma_wait3A_377] : memref<655360xi32, #tpu.memory_space<hbm>> -> memref<128xi32, #tpu.memory_space<hbm>>
        %dma_wait3A_379 = tpu.memref_slice %arg11[%rem3A_373] : memref<4x!tpu.dma_semaphore, #tpu.memory_space<semaphore_mem>> -> memref<1x!tpu.dma_semaphore, #tpu.memory_space<semaphore_mem>>
        %dma_wait3A_380 = tpu.memref_squeeze %dma_wait3A_379 : memref<1x!tpu.dma_semaphore, #tpu.memory_space<semaphore_mem>> -> memref<!tpu.dma_semaphore, #tpu.memory_space<semaphore_mem>>
        %dma_wait3A_381 = arith.constant 0 : i32
        %dma_wait3A_382 = tpu.memref_slice %arg7[%rem3A_373, %dma_wait3A_381] : memref<4x128xi32, #tpu.memory_space<vmem>> -> memref<1x128xi32, #tpu.memory_space<vmem>>
        %dma_wait3A_383 = tpu.memref_squeeze %dma_wait3A_382 : memref<1x128xi32, #tpu.memory_space<vmem>> -> memref<128xi32, #tpu.memory_space<vmem>>
        %dma_wait3A_384 = arith.constant 0 : i32
        %dma_wait3A_385 = tpu.memref_slice %arg3[%dma_wait3A_384] : memref<655360xi32, #tpu.memory_space<hbm>> -> memref<128xi32, #tpu.memory_space<hbm>>
        tpu.wait_dma2 semaphore(%dma_wait3A_380 : memref<!tpu.dma_semaphore, #tpu.memory_space<semaphore_mem>>) src(%dma_wait3A_385 : memref<128xi32, #tpu.memory_space<hbm>>) dst(%dma_wait3A_383 : memref<128xi32, #tpu.memory_space<vmem>>)
        %dma_wait3A_386 = arith.constant 0 : i32
        %dma_wait3A_387 = tpu.memref_slice %arg8[%rem3A_373, %dma_wait3A_386] : memref<4x128xi32, #tpu.memory_space<vmem>> -> memref<1x128xi32, #tpu.memory_space<vmem>>
        %dma_wait3A_388 = tpu.memref_squeeze %dma_wait3A_387 : memref<1x128xi32, #tpu.memory_space<vmem>> -> memref<128xi32, #tpu.memory_space<vmem>>
        %dma_wait3A_389 = arith.constant 0 : i32
        %dma_wait3A_390 = tpu.memref_slice %arg4[%dma_wait3A_389] : memref<163840xi32, #tpu.memory_space<hbm>> -> memref<128xi32, #tpu.memory_space<hbm>>
        %dma_wait3A_391 = tpu.memref_slice %arg12[%rem3A_373] : memref<4x!tpu.dma_semaphore, #tpu.memory_space<semaphore_mem>> -> memref<1x!tpu.dma_semaphore, #tpu.memory_space<semaphore_mem>>
        %dma_wait3A_392 = tpu.memref_squeeze %dma_wait3A_391 : memref<1x!tpu.dma_semaphore, #tpu.memory_space<semaphore_mem>> -> memref<!tpu.dma_semaphore, #tpu.memory_space<semaphore_mem>>
        %dma_wait3A_393 = arith.constant 0 : i32
        %dma_wait3A_394 = tpu.memref_slice %arg8[%rem3A_373, %dma_wait3A_393] : memref<4x128xi32, #tpu.memory_space<vmem>> -> memref<1x128xi32, #tpu.memory_space<vmem>>
        %dma_wait3A_395 = tpu.memref_squeeze %dma_wait3A_394 : memref<1x128xi32, #tpu.memory_space<vmem>> -> memref<128xi32, #tpu.memory_space<vmem>>
        %dma_wait3A_396 = arith.constant 0 : i32
        %dma_wait3A_397 = tpu.memref_slice %arg4[%dma_wait3A_396] : memref<163840xi32, #tpu.memory_space<hbm>> -> memref<128xi32, #tpu.memory_space<hbm>>
        tpu.wait_dma2 semaphore(%dma_wait3A_392 : memref<!tpu.dma_semaphore, #tpu.memory_space<semaphore_mem>>) src(%dma_wait3A_397 : memref<128xi32, #tpu.memory_space<hbm>>) dst(%dma_wait3A_395 : memref<128xi32, #tpu.memory_space<vmem>>)
        %add3A_398 = arith.constant 1 : i32
        %add3A_399 = arith.addi %scan3A_336, %add3A_398 : i32
        %rem3A_400 = arith.constant 4 : i32
        %rem3A_401 = arith.remsi %add3A_399, %rem3A_400 : i32
        %rem3A_402 = arith.constant 2 : i32
        %rem3A_403 = arith.remsi %add3A_399, %rem3A_402 : i32
        %dma_start3A_404 = arith.constant 0 : i32
        %dma_start3A_405 = arith.constant 0 : i32
        %dma_start3A_406 = tpu.memref_slice %arg9[%rem3A_403, %dma_start3A_404, %dma_start3A_405] : memref<2x128x128xf32, #tpu.memory_space<vmem>> -> memref<1x128x128xf32, #tpu.memory_space<vmem>>
        %dma_start3A_407 = tpu.memref_squeeze %dma_start3A_406 : memref<1x128x128xf32, #tpu.memory_space<vmem>> -> memref<128x128xf32, #tpu.memory_space<vmem>>
        %dma_start3A_408 = arith.constant 0 : i32
        %dma_start3A_409 = tpu.memref_slice %arg7[%rem3A_401, %dma_start3A_408] : memref<4x128xi32, #tpu.memory_space<vmem>> -> memref<1x128xi32, #tpu.memory_space<vmem>>
        %dma_start3A_410 = tpu.memref_squeeze %dma_start3A_409 : memref<1x128xi32, #tpu.memory_space<vmem>> -> memref<128xi32, #tpu.memory_space<vmem>>
        %dma_start3A_411 = arith.constant 0 : i32
        %dma_start3A_412 = arith.constant 0 : i32
        %dma_start3A_413 = tpu.memref_slice %arg2[%dma_start3A_411, %dma_start3A_412] : memref<40960x128xf32, #tpu.memory_space<hbm>> -> memref<40960x128xf32, #tpu.memory_space<hbm>>
        %dma_start3A_414 = tpu.memref_slice %arg10[%rem3A_403] : memref<2x!tpu.dma_semaphore, #tpu.memory_space<semaphore_mem>> -> memref<1x!tpu.dma_semaphore, #tpu.memory_space<semaphore_mem>>
        %dma_start3A_415 = tpu.memref_squeeze %dma_start3A_414 : memref<1x!tpu.dma_semaphore, #tpu.memory_space<semaphore_mem>> -> memref<!tpu.dma_semaphore, #tpu.memory_space<semaphore_mem>>
        tpu.enqueue_indirect_dma source(%dma_start3A_413 : memref<40960x128xf32, #tpu.memory_space<hbm>>) target(%dma_start3A_407 : memref<128x128xf32, #tpu.memory_space<vmem>>) offsets(%dma_start3A_410 : memref<128xi32, #tpu.memory_space<vmem>>) semaphore(%dma_start3A_415 : memref<!tpu.dma_semaphore, #tpu.memory_space<semaphore_mem>>)
      } else {
      }
      %rem3A_349 = arith.constant 4 : i32
      %rem3A_350 = arith.remsi %scan3A_336, %rem3A_349 : i32
      %rem3A_351 = arith.constant 2 : i32
      %rem3A_352 = arith.remsi %scan3A_336, %rem3A_351 : i32
      %dma_wait3A_353 = arith.constant 0 : i32
      %dma_wait3A_354 = arith.constant 0 : i32
      %dma_wait3A_355 = tpu.memref_slice %arg9[%rem3A_352, %dma_wait3A_353, %dma_wait3A_354] : memref<2x128x128xf32, #tpu.memory_space<vmem>> -> memref<1x128x128xf32, #tpu.memory_space<vmem>>
      %dma_wait3A_356 = tpu.memref_squeeze %dma_wait3A_355 : memref<1x128x128xf32, #tpu.memory_space<vmem>> -> memref<128x128xf32, #tpu.memory_space<vmem>>
      %dma_wait3A_357 = arith.constant 0 : i32
      %dma_wait3A_358 = tpu.memref_slice %arg7[%rem3A_350, %dma_wait3A_357] : memref<4x128xi32, #tpu.memory_space<vmem>> -> memref<1x128xi32, #tpu.memory_space<vmem>>
      %dma_wait3A_359 = tpu.memref_squeeze %dma_wait3A_358 : memref<1x128xi32, #tpu.memory_space<vmem>> -> memref<128xi32, #tpu.memory_space<vmem>>
      %dma_wait3A_360 = arith.constant 0 : i32
      %dma_wait3A_361 = arith.constant 0 : i32
      %dma_wait3A_362 = tpu.memref_slice %arg2[%dma_wait3A_360, %dma_wait3A_361] : memref<40960x128xf32, #tpu.memory_space<hbm>> -> memref<40960x128xf32, #tpu.memory_space<hbm>>
      %dma_wait3A_363 = tpu.memref_slice %arg10[%rem3A_352] : memref<2x!tpu.dma_semaphore, #tpu.memory_space<semaphore_mem>> -> memref<1x!tpu.dma_semaphore, #tpu.memory_space<semaphore_mem>>
      %dma_wait3A_364 = tpu.memref_squeeze %dma_wait3A_363 : memref<1x!tpu.dma_semaphore, #tpu.memory_space<semaphore_mem>> -> memref<!tpu.dma_semaphore, #tpu.memory_space<semaphore_mem>>
      tpu.wait_indirect_dma semaphore(%dma_wait3A_364 : memref<!tpu.dma_semaphore, #tpu.memory_space<semaphore_mem>>) src(%dma_wait3A_362 : memref<40960x128xf32, #tpu.memory_space<hbm>>) dst(%dma_wait3A_356 : memref<128x128xf32, #tpu.memory_space<vmem>>)
      %rem3A_365 = arith.constant 2 : i32
      %rem3A_366 = arith.remsi %scan3A_336, %rem3A_365 : i32
      %rem3A_367 = arith.constant 4 : i32
      %rem3A_368 = arith.remsi %scan3A_336, %rem3A_367 : i32
      "tpu.region"() ({
        %run_scoped3A_370 = tpu.sem_alloc : memref<!tpu.dma_semaphore, #tpu.memory_space<semaphore_mem>>
        %dma_start3A_371 = arith.constant 0 : i32
        %dma_start3A_372 = arith.constant 0 : i32
        %dma_start3A_373 = tpu.memref_slice %arg9[%rem3A_366, %dma_start3A_371, %dma_start3A_372] : memref<2x128x128xf32, #tpu.memory_space<vmem>> -> memref<1x128x128xf32, #tpu.memory_space<vmem>>
        %dma_start3A_374 = tpu.memref_squeeze %dma_start3A_373 : memref<1x128x128xf32, #tpu.memory_space<vmem>> -> memref<128x128xf32, #tpu.memory_space<vmem>>
        %dma_start3A_375 = arith.constant 0 : i32
        %dma_start3A_376 = tpu.memref_slice %arg8[%rem3A_368, %dma_start3A_375] : memref<4x128xi32, #tpu.memory_space<vmem>> -> memref<1x128xi32, #tpu.memory_space<vmem>>
        %dma_start3A_377 = tpu.memref_squeeze %dma_start3A_376 : memref<1x128xi32, #tpu.memory_space<vmem>> -> memref<128xi32, #tpu.memory_space<vmem>>
        %dma_start3A_378 = arith.constant 0 : i32
        %dma_start3A_379 = arith.constant 0 : i32
        %dma_start3A_380 = tpu.memref_slice %arg6[%dma_start3A_378, %dma_start3A_379] : memref<10240x128xf32, #tpu.memory_space<vmem_shared>> -> memref<10240x128xf32, #tpu.memory_space<vmem_shared>>
        tpu.enqueue_indirect_dma source(%dma_start3A_374 : memref<128x128xf32, #tpu.memory_space<vmem>>) target(%dma_start3A_380 : memref<10240x128xf32, #tpu.memory_space<vmem_shared>>) offsets(%dma_start3A_377 : memref<128xi32, #tpu.memory_space<vmem>>) semaphore(%run_scoped3A_370 : memref<!tpu.dma_semaphore, #tpu.memory_space<semaphore_mem>>) {add = true}
        %dma_wait3A_381 = arith.constant 0 : i32
        %dma_wait3A_382 = arith.constant 0 : i32
        %dma_wait3A_383 = tpu.memref_slice %arg9[%rem3A_366, %dma_wait3A_381, %dma_wait3A_382] : memref<2x128x128xf32, #tpu.memory_space<vmem>> -> memref<1x128x128xf32, #tpu.memory_space<vmem>>
        %dma_wait3A_384 = tpu.memref_squeeze %dma_wait3A_383 : memref<1x128x128xf32, #tpu.memory_space<vmem>> -> memref<128x128xf32, #tpu.memory_space<vmem>>
        %dma_wait3A_385 = arith.constant 0 : i32
        %dma_wait3A_386 = tpu.memref_slice %arg8[%rem3A_368, %dma_wait3A_385] : memref<4x128xi32, #tpu.memory_space<vmem>> -> memref<1x128xi32, #tpu.memory_space<vmem>>
        %dma_wait3A_387 = tpu.memref_squeeze %dma_wait3A_386 : memref<1x128xi32, #tpu.memory_space<vmem>> -> memref<128xi32, #tpu.memory_space<vmem>>
        %dma_wait3A_388 = arith.constant 0 : i32
        %dma_wait3A_389 = arith.constant 0 : i32
        %dma_wait3A_390 = tpu.memref_slice %arg6[%dma_wait3A_388, %dma_wait3A_389] : memref<10240x128xf32, #tpu.memory_space<vmem_shared>> -> memref<10240x128xf32, #tpu.memory_space<vmem_shared>>
        tpu.wait_indirect_dma semaphore(%run_scoped3A_370 : memref<!tpu.dma_semaphore, #tpu.memory_space<semaphore_mem>>) src(%dma_wait3A_384 : memref<128x128xf32, #tpu.memory_space<vmem>>) dst(%dma_wait3A_390 : memref<10240x128xf32, #tpu.memory_space<vmem_shared>>)
        tpu.yield
      }) : () -> ()
      %scan3A_369 = arith.constant 0 : i32
      scf.yield %scan3A_369 : i32
    }
    %scan3A_326 = arith.constant 80 : i32
    %barrier3A_327 = arith.constant 0 : index
    tpu.barrier barrier_id(%barrier3A_327)
    %scan3A_328 = arith.constant 0 : i32
    %scan3A_329 = arith.constant 0 : i32
    %scan3A_330 = arith.constant 5 : i32
    %scan3A_331 = arith.addi %scan3A_329, %scan3A_330 : i32
    %scan3A_332 = arith.constant 1 : i32
    %scan3A_333 = scf.for %scan3A_336 = %scan3A_329 to %scan3A_331 step %scan3A_332 iter_args(%scan3A_337 = %scan3A_328) -> (i32)  : i32 {
      %mul3A_338 = arith.constant 640 : i32
      %mul3A_339 = arith.muli %arg1, %mul3A_338 : i32
      %mul3A_340 = arith.constant 128 : i32
      %mul3A_341 = arith.muli %scan3A_336, %mul3A_340 : i32
      %add3A_342 = arith.addi %mul3A_339, %mul3A_341 : i32
      %run_scoped3A_343 = arith.constant 0 : i32
      "tpu.region"() ({
        %run_scoped3A_356 = tpu.sem_alloc : memref<!tpu.dma_semaphore, #tpu.memory_space<semaphore_mem>>
        %dma_start3A_357 = arith.constant 0 : i32
        %dma_start3A_358 = arith.constant 0 : i32
        %dma_start3A_359 = tpu.memref_slice %arg9[%run_scoped3A_343, %dma_start3A_357, %dma_start3A_358] : memref<2x128x128xf32, #tpu.memory_space<vmem>> -> memref<1x128x128xf32, #tpu.memory_space<vmem>>
        %dma_start3A_360 = tpu.memref_squeeze %dma_start3A_359 : memref<1x128x128xf32, #tpu.memory_space<vmem>> -> memref<128x128xf32, #tpu.memory_space<vmem>>
        %dma_start3A_361 = arith.constant 0 : i32
        %dma_start3A_362 = tpu.memref_slice %arg6[%add3A_342, %dma_start3A_361] : memref<10240x128xf32, #tpu.memory_space<vmem_shared>> -> memref<128x128xf32, #tpu.memory_space<vmem_shared>>
        %dma_start3A_363 = arith.constant 0 : i32
        %dma_start3A_364 = arith.constant 0 : i32
        %dma_start3A_365 = tpu.memref_slice %arg9[%run_scoped3A_343, %dma_start3A_363, %dma_start3A_364] : memref<2x128x128xf32, #tpu.memory_space<vmem>> -> memref<1x128x128xf32, #tpu.memory_space<vmem>>
        %dma_start3A_366 = tpu.memref_squeeze %dma_start3A_365 : memref<1x128x128xf32, #tpu.memory_space<vmem>> -> memref<128x128xf32, #tpu.memory_space<vmem>>
        %dma_start3A_367 = arith.constant 0 : i32
        %dma_start3A_368 = tpu.memref_slice %arg6[%add3A_342, %dma_start3A_367] : memref<10240x128xf32, #tpu.memory_space<vmem_shared>> -> memref<128x128xf32, #tpu.memory_space<vmem_shared>>
        tpu.enqueue_dma source(%dma_start3A_368 : memref<128x128xf32, #tpu.memory_space<vmem_shared>>) target(%dma_start3A_366 : memref<128x128xf32, #tpu.memory_space<vmem>>) target_semaphore(%run_scoped3A_356 : memref<!tpu.dma_semaphore, #tpu.memory_space<semaphore_mem>>)
        %dma_wait3A_369 = arith.constant 0 : i32
        %dma_wait3A_370 = arith.constant 0 : i32
        %dma_wait3A_371 = tpu.memref_slice %arg9[%run_scoped3A_343, %dma_wait3A_369, %dma_wait3A_370] : memref<2x128x128xf32, #tpu.memory_space<vmem>> -> memref<1x128x128xf32, #tpu.memory_space<vmem>>
        %dma_wait3A_372 = tpu.memref_squeeze %dma_wait3A_371 : memref<1x128x128xf32, #tpu.memory_space<vmem>> -> memref<128x128xf32, #tpu.memory_space<vmem>>
        %dma_wait3A_373 = arith.constant 0 : i32
        %dma_wait3A_374 = tpu.memref_slice %arg6[%add3A_342, %dma_wait3A_373] : memref<10240x128xf32, #tpu.memory_space<vmem_shared>> -> memref<128x128xf32, #tpu.memory_space<vmem_shared>>
        %dma_wait3A_375 = arith.constant 0 : i32
        %dma_wait3A_376 = arith.constant 0 : i32
        %dma_wait3A_377 = tpu.memref_slice %arg9[%run_scoped3A_343, %dma_wait3A_375, %dma_wait3A_376] : memref<2x128x128xf32, #tpu.memory_space<vmem>> -> memref<1x128x128xf32, #tpu.memory_space<vmem>>
        %dma_wait3A_378 = tpu.memref_squeeze %dma_wait3A_377 : memref<1x128x128xf32, #tpu.memory_space<vmem>> -> memref<128x128xf32, #tpu.memory_space<vmem>>
        %dma_wait3A_379 = arith.constant 0 : i32
        %dma_wait3A_380 = tpu.memref_slice %arg6[%add3A_342, %dma_wait3A_379] : memref<10240x128xf32, #tpu.memory_space<vmem_shared>> -> memref<128x128xf32, #tpu.memory_space<vmem_shared>>
        tpu.wait_dma2 semaphore(%run_scoped3A_356 : memref<!tpu.dma_semaphore, #tpu.memory_space<semaphore_mem>>) src(%dma_wait3A_380 : memref<128x128xf32, #tpu.memory_space<vmem_shared>>) dst(%dma_wait3A_378 : memref<128x128xf32, #tpu.memory_space<vmem>>)
        tpu.yield
      }) : () -> ()
      %add3A_344 = arith.constant 2 : i32
      %add3A_345 = arith.addi %add3A_344, %arg0 : i32
      %mul3A_346 = arith.constant 10240 : i32
      %mul3A_347 = arith.muli %add3A_345, %mul3A_346 : i32
      %mul3A_348 = arith.constant 640 : i32
      %mul3A_349 = arith.muli %arg1, %mul3A_348 : i32
      %add3A_350 = arith.addi %mul3A_347, %mul3A_349 : i32
      %mul3A_351 = arith.constant 128 : i32
      %mul3A_352 = arith.muli %scan3A_336, %mul3A_351 : i32
      %add3A_353 = arith.addi %add3A_350, %mul3A_352 : i32
      %run_scoped3A_354 = arith.constant 0 : i32
      "tpu.region"() ({
        %run_scoped3A_356 = tpu.sem_alloc : memref<!tpu.dma_semaphore, #tpu.memory_space<semaphore_mem>>
        %dma_start3A_357 = arith.constant 0 : i32
        %dma_start3A_358 = arith.constant 0 : i32
        %dma_start3A_359 = tpu.memref_slice %arg9[%run_scoped3A_354, %dma_start3A_357, %dma_start3A_358] : memref<2x128x128xf32, #tpu.memory_space<vmem>> -> memref<1x128x128xf32, #tpu.memory_space<vmem>>
        %dma_start3A_360 = tpu.memref_squeeze %dma_start3A_359 : memref<1x128x128xf32, #tpu.memory_space<vmem>> -> memref<128x128xf32, #tpu.memory_space<vmem>>
        %dma_start3A_361 = arith.constant 0 : i32
        %dma_start3A_362 = tpu.memref_slice %arg5[%add3A_353, %dma_start3A_361] : memref<40960x128xf32, #tpu.memory_space<hbm>> -> memref<128x128xf32, #tpu.memory_space<hbm>>
        %dma_start3A_363 = arith.constant 0 : i32
        %dma_start3A_364 = tpu.memref_slice %arg5[%add3A_353, %dma_start3A_363] : memref<40960x128xf32, #tpu.memory_space<hbm>> -> memref<128x128xf32, #tpu.memory_space<hbm>>
        %dma_start3A_365 = arith.constant 0 : i32
        %dma_start3A_366 = arith.constant 0 : i32
        %dma_start3A_367 = tpu.memref_slice %arg9[%run_scoped3A_354, %dma_start3A_365, %dma_start3A_366] : memref<2x128x128xf32, #tpu.memory_space<vmem>> -> memref<1x128x128xf32, #tpu.memory_space<vmem>>
        %dma_start3A_368 = tpu.memref_squeeze %dma_start3A_367 : memref<1x128x128xf32, #tpu.memory_space<vmem>> -> memref<128x128xf32, #tpu.memory_space<vmem>>
        tpu.enqueue_dma source(%dma_start3A_368 : memref<128x128xf32, #tpu.memory_space<vmem>>) target(%dma_start3A_364 : memref<128x128xf32, #tpu.memory_space<hbm>>) target_semaphore(%run_scoped3A_356 : memref<!tpu.dma_semaphore, #tpu.memory_space<semaphore_mem>>)
        %dma_wait3A_369 = arith.constant 0 : i32
        %dma_wait3A_370 = arith.constant 0 : i32
        %dma_wait3A_371 = tpu.memref_slice %arg9[%run_scoped3A_354, %dma_wait3A_369, %dma_wait3A_370] : memref<2x128x128xf32, #tpu.memory_space<vmem>> -> memref<1x128x128xf32, #tpu.memory_space<vmem>>
        %dma_wait3A_372 = tpu.memref_squeeze %dma_wait3A_371 : memref<1x128x128xf32, #tpu.memory_space<vmem>> -> memref<128x128xf32, #tpu.memory_space<vmem>>
        %dma_wait3A_373 = arith.constant 0 : i32
        %dma_wait3A_374 = tpu.memref_slice %arg5[%add3A_353, %dma_wait3A_373] : memref<40960x128xf32, #tpu.memory_space<hbm>> -> memref<128x128xf32, #tpu.memory_space<hbm>>
        %dma_wait3A_375 = arith.constant 0 : i32
        %dma_wait3A_376 = tpu.memref_slice %arg5[%add3A_353, %dma_wait3A_375] : memref<40960x128xf32, #tpu.memory_space<hbm>> -> memref<128x128xf32, #tpu.memory_space<hbm>>
        %dma_wait3A_377 = arith.constant 0 : i32
        %dma_wait3A_378 = arith.constant 0 : i32
        %dma_wait3A_379 = tpu.memref_slice %arg9[%run_scoped3A_354, %dma_wait3A_377, %dma_wait3A_378] : memref<2x128x128xf32, #tpu.memory_space<vmem>> -> memref<1x128x128xf32, #tpu.memory_space<vmem>>
        %dma_wait3A_380 = tpu.memref_squeeze %dma_wait3A_379 : memref<1x128x128xf32, #tpu.memory_space<vmem>> -> memref<128x128xf32, #tpu.memory_space<vmem>>
        tpu.wait_dma2 semaphore(%run_scoped3A_356 : memref<!tpu.dma_semaphore, #tpu.memory_space<semaphore_mem>>) src(%dma_wait3A_380 : memref<128x128xf32, #tpu.memory_space<vmem>>) dst(%dma_wait3A_376 : memref<128x128xf32, #tpu.memory_space<hbm>>)
        tpu.yield
      }) : () -> ()
      %scan3A_355 = arith.constant 0 : i32
      scf.yield %scan3A_355 : i32
    }
    %scan3A_334 = arith.constant 5 : i32
    %barrier3A_335 = arith.constant 0 : index
    tpu.barrier barrier_id(%barrier3A_335)
    return
  }
}

module attributes {stable_mosaic.version = 14 : i64} {
  func.func @_scale_body(%arg0: i32, %arg1: memref<256x1xf32, #tpu.memory_space<vmem>>, %arg2: memref<256x1xf32, #tpu.memory_space<vmem>>, %arg3: memref<256x256xf32, #tpu.memory_space<vmem>>, %arg4: memref<256x256xf32, #tpu.memory_space<vmem>>, %arg5: memref<4x256x128xf32, #tpu.memory_space<vmem>>, %arg6: memref<256x1xf32, #tpu.memory_space<vmem>>) attributes {dimension_semantics = [#tpu.dimension_semantics<arbitrary>], iteration_bounds = array<i64: 40>, scalar_prefetch = 0 : i64, scratch_operands = 0 : i64, tpu.core_type = #tpu.core_type<tc>, window_params = [{transform_indices = @transform_0, window_bounds = array<i64: 256, 1>}, {transform_indices = @transform_1, window_bounds = array<i64: 256, 1>}, {transform_indices = @transform_2, window_bounds = array<i64: 256, 256>}, {transform_indices = @transform_3, window_bounds = array<i64: 256, 256>}, {transform_indices = @transform_4, window_bounds = array<i64: 4, 256, 128>}, {transform_indices = @transform_5, window_bounds = array<i64: 256, 1>}]} {
    %get3A = arith.constant 0 : index
    %get3A_0 = arith.constant 0 : index
    %get3A_1 = vector.load %arg1[%get3A, %get3A_0] : memref<256x1xf32, #tpu.memory_space<vmem>>, vector<256x1xf32>
    %get3A_2 = arith.constant 0 : index
    %get3A_3 = arith.constant 0 : index
    %get3A_4 = vector.load %arg2[%get3A_2, %get3A_3] : memref<256x1xf32, #tpu.memory_space<vmem>>, vector<256x1xf32>
    %add3A = arith.addf %get3A_1, %get3A_4 : vector<256x1xf32>
    %add3A_5 = arith.constant 1.000000e+00 : f32
    %add3A_6 = vector.broadcast %add3A_5 : f32 to vector<256x1xf32>
    %add3A_7 = arith.addf %add3A, %add3A_6 : vector<256x1xf32>
    %rsqrt3A = math.rsqrt %add3A_7 : vector<256x1xf32>
    %iota3A = tpu.iota {dimensions = array<i32: 0>} : vector<256x1xi32>
    %mul3A = arith.constant 256 : i32
    %mul3A_8 = arith.muli %arg0, %mul3A : i32
    %add3A_9 = vector.broadcast %mul3A_8 : i32 to vector<256x1xi32>
    %add3A_10 = arith.addi %iota3A, %add3A_9 : vector<256x1xi32>
    %lt3A = arith.constant 10000 : i32
    %lt3A_11 = vector.broadcast %lt3A : i32 to vector<256x1xi32>
    %lt3A_12 = arith.cmpi slt, %add3A_10, %lt3A_11 : vector<256x1xi32>
    %jit3A = arith.constant 0.000000e+00 : f32
    %broadcast_in_dim3A = vector.broadcast %jit3A : f32 to vector<256x1xf32>
    %select_n3A = arith.select %lt3A_12, %rsqrt3A, %broadcast_in_dim3A : vector<256x1xi1>, vector<256x1xf32>
    %get3A_13 = arith.constant 0 : index
    %get3A_14 = arith.constant 0 : index
    %get3A_15 = vector.load %arg3[%get3A_13, %get3A_14] : memref<256x256xf32, #tpu.memory_space<vmem>>, vector<256x256xf32>
    %mul3A_16 = vector.broadcast %select_n3A : vector<256x1xf32> to vector<256x256xf32>
    %mul3A_17 = arith.mulf %mul3A_16, %get3A_15 : vector<256x256xf32>
    %get3A_18 = arith.constant 0 : index
    %get3A_19 = arith.constant 0 : index
    %get3A_20 = vector.load %arg4[%get3A_18, %get3A_19] : memref<256x256xf32, #tpu.memory_space<vmem>>, vector<256x256xf32>
    %mul3A_21 = vector.broadcast %select_n3A : vector<256x1xf32> to vector<256x256xf32>
    %mul3A_22 = arith.mulf %mul3A_21, %get3A_20 : vector<256x256xf32>
    %slice3A = vector.extract_strided_slice %mul3A_17 {offsets = [0, 0], sizes = [256, 128], strides = [1, 1]} : vector<256x256xf32> to vector<256x128xf32>
    %swap3A = arith.constant 0 : index
    %swap3A_23 = arith.constant 0 : index
    %swap3A_24 = arith.constant 0 : index
    %swap3A_25 = vector.load %arg5[%swap3A, %swap3A_23, %swap3A_24] : memref<4x256x128xf32, #tpu.memory_space<vmem>>, vector<1x256x128xf32>
    %swap3A_26 = vector.shape_cast %swap3A_25 : vector<1x256x128xf32> to vector<256x128xf32>
    %swap3A_27 = vector.shape_cast %slice3A : vector<256x128xf32> to vector<1x256x128xf32>
    tpu.vector_store %arg5[%swap3A, %swap3A_23, %swap3A_24], %swap3A_27 {strides = array<i32>} : memref<4x256x128xf32, #tpu.memory_space<vmem>>, vector<1x256x128xf32>,
    %slice3A_28 = vector.extract_strided_slice %mul3A_17 {offsets = [0, 128], sizes = [256, 128], strides = [1, 1]} : vector<256x256xf32> to vector<256x128xf32>
    %swap3A_29 = arith.constant 1 : index
    %swap3A_30 = arith.constant 0 : index
    %swap3A_31 = arith.constant 0 : index
    %swap3A_32 = vector.load %arg5[%swap3A_29, %swap3A_30, %swap3A_31] : memref<4x256x128xf32, #tpu.memory_space<vmem>>, vector<1x256x128xf32>
    %swap3A_33 = vector.shape_cast %swap3A_32 : vector<1x256x128xf32> to vector<256x128xf32>
    %swap3A_34 = vector.shape_cast %slice3A_28 : vector<256x128xf32> to vector<1x256x128xf32>
    tpu.vector_store %arg5[%swap3A_29, %swap3A_30, %swap3A_31], %swap3A_34 {strides = array<i32>} : memref<4x256x128xf32, #tpu.memory_space<vmem>>, vector<1x256x128xf32>,
    %slice3A_35 = vector.extract_strided_slice %mul3A_22 {offsets = [0, 0], sizes = [256, 128], strides = [1, 1]} : vector<256x256xf32> to vector<256x128xf32>
    %swap3A_36 = arith.constant 2 : index
    %swap3A_37 = arith.constant 0 : index
    %swap3A_38 = arith.constant 0 : index
    %swap3A_39 = vector.load %arg5[%swap3A_36, %swap3A_37, %swap3A_38] : memref<4x256x128xf32, #tpu.memory_space<vmem>>, vector<1x256x128xf32>
    %swap3A_40 = vector.shape_cast %swap3A_39 : vector<1x256x128xf32> to vector<256x128xf32>
    %swap3A_41 = vector.shape_cast %slice3A_35 : vector<256x128xf32> to vector<1x256x128xf32>
    tpu.vector_store %arg5[%swap3A_36, %swap3A_37, %swap3A_38], %swap3A_41 {strides = array<i32>} : memref<4x256x128xf32, #tpu.memory_space<vmem>>, vector<1x256x128xf32>,
    %slice3A_42 = vector.extract_strided_slice %mul3A_22 {offsets = [0, 128], sizes = [256, 128], strides = [1, 1]} : vector<256x256xf32> to vector<256x128xf32>
    %swap3A_43 = arith.constant 3 : index
    %swap3A_44 = arith.constant 0 : index
    %swap3A_45 = arith.constant 0 : index
    %swap3A_46 = vector.load %arg5[%swap3A_43, %swap3A_44, %swap3A_45] : memref<4x256x128xf32, #tpu.memory_space<vmem>>, vector<1x256x128xf32>
    %swap3A_47 = vector.shape_cast %swap3A_46 : vector<1x256x128xf32> to vector<256x128xf32>
    %swap3A_48 = vector.shape_cast %slice3A_42 : vector<256x128xf32> to vector<1x256x128xf32>
    tpu.vector_store %arg5[%swap3A_43, %swap3A_44, %swap3A_45], %swap3A_48 {strides = array<i32>} : memref<4x256x128xf32, #tpu.memory_space<vmem>>, vector<1x256x128xf32>,
    %swap3A_49 = arith.constant 0 : index
    %swap3A_50 = arith.constant 0 : index
    %swap3A_51 = vector.load %arg6[%swap3A_49, %swap3A_50] : memref<256x1xf32, #tpu.memory_space<vmem>>, vector<256x1xf32>
    tpu.vector_store %arg6[%swap3A_49, %swap3A_50], %select_n3A {strides = array<i32>} : memref<256x1xf32, #tpu.memory_space<vmem>>, vector<256x1xf32>,
    return
  }
  func.func @transform_0(%arg0: i32) -> (i32, i32) {
    %c0_i32 = arith.constant 0 : i32
    %c0_i32_0 = arith.constant 0 : i32
    return %arg0, %c0_i32 : i32, i32
  }
  func.func @transform_1(%arg0: i32) -> (i32, i32) {
    %c0_i32 = arith.constant 0 : i32
    %c0_i32_0 = arith.constant 0 : i32
    return %arg0, %c0_i32 : i32, i32
  }
  func.func @transform_2(%arg0: i32) -> (i32, i32) {
    %c0_i32 = arith.constant 0 : i32
    %c0_i32_0 = arith.constant 0 : i32
    return %arg0, %c0_i32 : i32, i32
  }
  func.func @transform_3(%arg0: i32) -> (i32, i32) {
    %c0_i32 = arith.constant 0 : i32
    %c0_i32_0 = arith.constant 0 : i32
    return %arg0, %c0_i32 : i32, i32
  }
  func.func @transform_4(%arg0: i32) -> (i32, i32, i32) {
    %c0_i32 = arith.constant 0 : i32
    %c0_i32_0 = arith.constant 0 : i32
    %c0_i32_1 = arith.constant 0 : i32
    return %c0_i32, %arg0, %c0_i32_0 : i32, i32, i32
  }
  func.func @transform_5(%arg0: i32) -> (i32, i32) {
    %c0_i32 = arith.constant 0 : i32
    %c0_i32_0 = arith.constant 0 : i32
    return %arg0, %c0_i32 : i32, i32
  }
}

module attributes {stable_mosaic.version = 14 : i64} {
  func.func @_final_body(%arg0: i32, %arg1: memref<4x256x128xf32, #tpu.memory_space<vmem>>, %arg2: memref<256x256xf32, #tpu.memory_space<vmem>>, %arg3: memref<256x256xf32, #tpu.memory_space<vmem>>, %arg4: memref<256x256xf32, #tpu.memory_space<vmem>>, %arg5: memref<256x1xf32, #tpu.memory_space<vmem>>, %arg6: memref<256x1xf32, #tpu.memory_space<vmem>>, %arg7: memref<256x256xf32, #tpu.memory_space<vmem>>, %arg8: memref<1x256xf32, #tpu.memory_space<vmem>>, %arg9: memref<256x256xf32, #tpu.memory_space<vmem>>, %arg10: memref<1x256xf32, #tpu.memory_space<vmem>>, %arg11: memref<256x1xf32, #tpu.memory_space<vmem>>, %arg12: memref<256x1xf32, #tpu.memory_space<vmem>>) attributes {dimension_semantics = [#tpu.dimension_semantics<arbitrary>], iteration_bounds = array<i64: 40>, scalar_prefetch = 0 : i64, scratch_operands = 0 : i64, tpu.core_type = #tpu.core_type<tc>, window_params = [{transform_indices = @transform_0, window_bounds = array<i64: 4, 256, 128>}, {transform_indices = @transform_1, window_bounds = array<i64: 256, 256>}, {transform_indices = @transform_2, window_bounds = array<i64: 256, 256>}, {transform_indices = @transform_3, window_bounds = array<i64: 256, 256>}, {transform_indices = @transform_4, window_bounds = array<i64: 256, 1>}, {transform_indices = @transform_5, window_bounds = array<i64: 256, 1>}, {pipeline_mode = #tpu.pipeline_mode<synchronous>, transform_indices = @transform_6, window_bounds = array<i64: 256, 256>}, {pipeline_mode = #tpu.pipeline_mode<synchronous>, transform_indices = @transform_7, window_bounds = array<i64: 1, 256>}, {pipeline_mode = #tpu.pipeline_mode<synchronous>, transform_indices = @transform_8, window_bounds = array<i64: 256, 256>}, {pipeline_mode = #tpu.pipeline_mode<synchronous>, transform_indices = @transform_9, window_bounds = array<i64: 1, 256>}, {transform_indices = @transform_10, window_bounds = array<i64: 256, 1>}, {transform_indices = @transform_11, window_bounds = array<i64: 256, 1>}]} {
    %get3A = arith.constant 0 : index
    %get3A_0 = arith.constant 0 : index
    %get3A_1 = vector.load %arg5[%get3A, %get3A_0] : memref<256x1xf32, #tpu.memory_space<vmem>>, vector<256x1xf32>
    %get3A_2 = arith.constant 0 : index
    %get3A_3 = arith.constant 0 : index
    %get3A_4 = arith.constant 0 : index
    %get3A_5 = vector.load %arg1[%get3A_2, %get3A_3, %get3A_4] : memref<4x256x128xf32, #tpu.memory_space<vmem>>, vector<1x256x128xf32>
    %get3A_6 = vector.shape_cast %get3A_5 : vector<1x256x128xf32> to vector<256x128xf32>
    %get3A_7 = arith.constant 1 : index
    %get3A_8 = arith.constant 0 : index
    %get3A_9 = arith.constant 0 : index
    %get3A_10 = vector.load %arg1[%get3A_7, %get3A_8, %get3A_9] : memref<4x256x128xf32, #tpu.memory_space<vmem>>, vector<1x256x128xf32>
    %get3A_11 = vector.shape_cast %get3A_10 : vector<1x256x128xf32> to vector<256x128xf32>
    %concatenate3A = tpu.concatenate %get3A_6, %get3A_11 in 1 : vector<256x128xf32>, vector<256x128xf32> -> vector<256x256xf32>
    %get3A_12 = arith.constant 2 : index
    %get3A_13 = arith.constant 0 : index
    %get3A_14 = arith.constant 0 : index
    %get3A_15 = vector.load %arg1[%get3A_12, %get3A_13, %get3A_14] : memref<4x256x128xf32, #tpu.memory_space<vmem>>, vector<1x256x128xf32>
    %get3A_16 = vector.shape_cast %get3A_15 : vector<1x256x128xf32> to vector<256x128xf32>
    %get3A_17 = arith.constant 3 : index
    %get3A_18 = arith.constant 0 : index
    %get3A_19 = arith.constant 0 : index
    %get3A_20 = vector.load %arg1[%get3A_17, %get3A_18, %get3A_19] : memref<4x256x128xf32, #tpu.memory_space<vmem>>, vector<1x256x128xf32>
    %get3A_21 = vector.shape_cast %get3A_20 : vector<1x256x128xf32> to vector<256x128xf32>
    %concatenate3A_22 = tpu.concatenate %get3A_16, %get3A_21 in 1 : vector<256x128xf32>, vector<256x128xf32> -> vector<256x256xf32>
    %mul3A = arith.mulf %get3A_1, %get3A_1 : vector<256x1xf32>
    %mul3A_23 = vector.broadcast %get3A_1 : vector<256x1xf32> to vector<256x256xf32>
    %mul3A_24 = arith.mulf %mul3A_23, %concatenate3A : vector<256x256xf32>
    %get3A_25 = arith.constant 0 : index
    %get3A_26 = arith.constant 0 : index
    %get3A_27 = vector.load %arg2[%get3A_25, %get3A_26] : memref<256x256xf32, #tpu.memory_space<vmem>>, vector<256x256xf32>
    %mul3A_28 = vector.broadcast %mul3A : vector<256x1xf32> to vector<256x256xf32>
    %mul3A_29 = arith.mulf %mul3A_28, %get3A_27 : vector<256x256xf32>
    %add3A = arith.addf %mul3A_24, %mul3A_29 : vector<256x256xf32>
    %mul3A_30 = vector.broadcast %get3A_1 : vector<256x1xf32> to vector<256x256xf32>
    %mul3A_31 = arith.mulf %mul3A_30, %concatenate3A_22 : vector<256x256xf32>
    %get3A_32 = arith.constant 0 : index
    %get3A_33 = arith.constant 0 : index
    %get3A_34 = vector.load %arg3[%get3A_32, %get3A_33] : memref<256x256xf32, #tpu.memory_space<vmem>>, vector<256x256xf32>
    %mul3A_35 = vector.broadcast %mul3A : vector<256x1xf32> to vector<256x256xf32>
    %mul3A_36 = arith.mulf %mul3A_35, %get3A_34 : vector<256x256xf32>
    %add3A_37 = arith.addf %mul3A_31, %mul3A_36 : vector<256x256xf32>
    %get3A_38 = arith.constant 0 : index
    %get3A_39 = arith.constant 0 : index
    %get3A_40 = vector.load %arg7[%get3A_38, %get3A_39] : memref<256x256xf32, #tpu.memory_space<vmem>>, vector<256x256xf32>
    %get3A_41 = arith.constant 0 : index
    %get3A_42 = arith.constant 0 : index
    %get3A_43 = vector.load %arg8[%get3A_41, %get3A_42] : memref<1x256xf32, #tpu.memory_space<vmem>>, vector<1x256xf32>
    %dot_general3A = arith.constant dense<0.000000e+00> : vector<256x256xf32>
    %dot_general3A_44 = tpu.matmul %add3A, %get3A_40, %dot_general3A {dimension_numbers = #tpu.dot_dimension_numbers<[1], [0], [0], [1], [0, 0, 1, 1], [], []>, transpose_lhs_hint = false} : vector<256x256xf32>, vector<256x256xf32>, vector<256x256xf32> -> vector<256x256xf32>
    %add3A_45 = vector.broadcast %get3A_43 : vector<1x256xf32> to vector<256x256xf32>
    %add3A_46 = arith.addf %dot_general3A_44, %add3A_45 : vector<256x256xf32>
    %max3A = arith.constant 0.000000e+00 : f32
    %max3A_47 = vector.broadcast %max3A : f32 to vector<256x256xf32>
    %max3A_48 = arith.maximumf %add3A_46, %max3A_47 : vector<256x256xf32>
    %dot_general3A_49 = arith.constant dense<0.000000e+00> : vector<256x256xf32>
    %dot_general3A_50 = tpu.matmul %add3A_37, %get3A_40, %dot_general3A_49 {dimension_numbers = #tpu.dot_dimension_numbers<[1], [0], [0], [1], [0, 0, 1, 1], [], []>, transpose_lhs_hint = false} : vector<256x256xf32>, vector<256x256xf32>, vector<256x256xf32> -> vector<256x256xf32>
    %add3A_51 = vector.broadcast %get3A_43 : vector<1x256xf32> to vector<256x256xf32>
    %add3A_52 = arith.addf %dot_general3A_50, %add3A_51 : vector<256x256xf32>
    %max3A_53 = arith.constant 0.000000e+00 : f32
    %max3A_54 = vector.broadcast %max3A_53 : f32 to vector<256x256xf32>
    %max3A_55 = arith.maximumf %add3A_52, %max3A_54 : vector<256x256xf32>
    %get3A_56 = arith.constant 0 : index
    %get3A_57 = arith.constant 0 : index
    %get3A_58 = vector.load %arg9[%get3A_56, %get3A_57] : memref<256x256xf32, #tpu.memory_space<vmem>>, vector<256x256xf32>
    %reduce_sum3A = arith.constant dense<0.000000e+00> : vector<256xf32>
    %reduce_sum3A_59 = vector.multi_reduction <add>, %get3A_58, %reduce_sum3A [1] : vector<256x256xf32> to vector<256xf32>
    %broadcast_in_dim3A = vector.shape_cast %reduce_sum3A_59 : vector<256xf32> to vector<256x1xf32>
    %get3A_60 = arith.constant 0 : index
    %get3A_61 = arith.constant 0 : index
    %get3A_62 = vector.load %arg10[%get3A_60, %get3A_61] : memref<1x256xf32, #tpu.memory_space<vmem>>, vector<1x256xf32>
    %reduce_sum3A_63 = vector.shape_cast %get3A_62 : vector<1x256xf32> to vector<1x1x256xf32>
    %reduce_sum3A_64 = arith.constant dense<0.000000e+00> : vector<1xf32>
    %reduce_sum3A_65 = vector.multi_reduction <add>, %reduce_sum3A_63, %reduce_sum3A_64 [1, 2] : vector<1x1x256xf32> to vector<1xf32>
    %reduce_sum3A_66 = vector.shape_cast %reduce_sum3A_65 : vector<1xf32> to vector<1x1x1xf32>
    %reduce_sum3A_67 = vector.extract %reduce_sum3A_66[0, 0, 0] : f32 from vector<1x1x1xf32>
    %dot_general3A_68 = arith.constant dense<0.000000e+00> : vector<256x1xf32>
    %dot_general3A_69 = tpu.matmul %max3A_48, %broadcast_in_dim3A, %dot_general3A_68 {dimension_numbers = #tpu.dot_dimension_numbers<[1], [0], [0], [1], [0, 0, 1, 1], [], []>, transpose_lhs_hint = false} : vector<256x256xf32>, vector<256x1xf32>, vector<256x1xf32> -> vector<256x1xf32>
    %add3A_70 = vector.broadcast %reduce_sum3A_67 : f32 to vector<256x1xf32>
    %add3A_71 = arith.addf %dot_general3A_69, %add3A_70 : vector<256x1xf32>
    %dot_general3A_72 = arith.constant dense<0.000000e+00> : vector<256x1xf32>
    %dot_general3A_73 = tpu.matmul %max3A_55, %broadcast_in_dim3A, %dot_general3A_72 {dimension_numbers = #tpu.dot_dimension_numbers<[1], [0], [0], [1], [0, 0, 1, 1], [], []>, transpose_lhs_hint = false} : vector<256x256xf32>, vector<256x1xf32>, vector<256x1xf32> -> vector<256x1xf32>
    %add3A_74 = vector.broadcast %reduce_sum3A_67 : f32 to vector<256x1xf32>
    %add3A_75 = arith.addf %dot_general3A_73, %add3A_74 : vector<256x1xf32>
    %get3A_76 = arith.constant 0 : index
    %get3A_77 = arith.constant 0 : index
    %get3A_78 = vector.load %arg4[%get3A_76, %get3A_77] : memref<256x256xf32, #tpu.memory_space<vmem>>, vector<256x256xf32>
    %dot_general3A_79 = arith.constant dense<0.000000e+00> : vector<256x1xf32>
    %dot_general3A_80 = tpu.matmul %get3A_78, %broadcast_in_dim3A, %dot_general3A_79 {dimension_numbers = #tpu.dot_dimension_numbers<[1], [0], [0], [1], [0, 0, 1, 1], [], []>, transpose_lhs_hint = false} : vector<256x256xf32>, vector<256x1xf32>, vector<256x1xf32> -> vector<256x1xf32>
    %add3A_81 = vector.broadcast %reduce_sum3A_67 : f32 to vector<256x1xf32>
    %add3A_82 = arith.addf %dot_general3A_80, %add3A_81 : vector<256x1xf32>
    %swap3A = arith.constant 0 : index
    %swap3A_83 = arith.constant 0 : index
    %swap3A_84 = vector.load %arg11[%swap3A, %swap3A_83] : memref<256x1xf32, #tpu.memory_space<vmem>>, vector<256x1xf32>
    tpu.vector_store %arg11[%swap3A, %swap3A_83], %add3A_71 {strides = array<i32>} : memref<256x1xf32, #tpu.memory_space<vmem>>, vector<256x1xf32>,
    %get3A_85 = arith.constant 0 : index
    %get3A_86 = arith.constant 0 : index
    %get3A_87 = vector.load %arg6[%get3A_85, %get3A_86] : memref<256x1xf32, #tpu.memory_space<vmem>>, vector<256x1xf32>
    %gt3A = arith.constant 5.000000e-01 : f32
    %gt3A_88 = vector.broadcast %gt3A : f32 to vector<256x1xf32>
    %gt3A_89 = arith.cmpf ogt, %get3A_87, %gt3A_88 : vector<256x1xf32>
    %select_n3A = arith.select %gt3A_89, %add3A_82, %add3A_75 : vector<256x1xi1>, vector<256x1xf32>
    %swap3A_90 = arith.constant 0 : index
    %swap3A_91 = arith.constant 0 : index
    %swap3A_92 = vector.load %arg12[%swap3A_90, %swap3A_91] : memref<256x1xf32, #tpu.memory_space<vmem>>, vector<256x1xf32>
    tpu.vector_store %arg12[%swap3A_90, %swap3A_91], %select_n3A {strides = array<i32>} : memref<256x1xf32, #tpu.memory_space<vmem>>, vector<256x1xf32>,
    return
  }
  func.func @transform_0(%arg0: i32) -> (i32, i32, i32) {
    %c0_i32 = arith.constant 0 : i32
    %c0_i32_0 = arith.constant 0 : i32
    %c0_i32_1 = arith.constant 0 : i32
    return %c0_i32, %arg0, %c0_i32_0 : i32, i32, i32
  }
  func.func @transform_1(%arg0: i32) -> (i32, i32) {
    %c0_i32 = arith.constant 0 : i32
    %c0_i32_0 = arith.constant 0 : i32
    return %arg0, %c0_i32 : i32, i32
  }
  func.func @transform_2(%arg0: i32) -> (i32, i32) {
    %c0_i32 = arith.constant 0 : i32
    %c0_i32_0 = arith.constant 0 : i32
    return %arg0, %c0_i32 : i32, i32
  }
  func.func @transform_3(%arg0: i32) -> (i32, i32) {
    %c0_i32 = arith.constant 0 : i32
    %c0_i32_0 = arith.constant 0 : i32
    return %arg0, %c0_i32 : i32, i32
  }
  func.func @transform_4(%arg0: i32) -> (i32, i32) {
    %c0_i32 = arith.constant 0 : i32
    %c0_i32_0 = arith.constant 0 : i32
    return %arg0, %c0_i32 : i32, i32
  }
  func.func @transform_5(%arg0: i32) -> (i32, i32) {
    %c0_i32 = arith.constant 0 : i32
    %c0_i32_0 = arith.constant 0 : i32
    return %arg0, %c0_i32 : i32, i32
  }
  func.func @transform_6(%arg0: i32) -> (i32, i32) {
    %c0_i32 = arith.constant 0 : i32
    %c0_i32_0 = arith.constant 0 : i32
    %c0_i32_1 = arith.constant 0 : i32
    return %c0_i32, %c0_i32_0 : i32, i32
  }
  func.func @transform_7(%arg0: i32) -> (i32, i32) {
    %c0_i32 = arith.constant 0 : i32
    %c0_i32_0 = arith.constant 0 : i32
    %c0_i32_1 = arith.constant 0 : i32
    return %c0_i32, %c0_i32_0 : i32, i32
  }
  func.func @transform_8(%arg0: i32) -> (i32, i32) {
    %c0_i32 = arith.constant 0 : i32
    %c0_i32_0 = arith.constant 0 : i32
    %c0_i32_1 = arith.constant 0 : i32
    return %c0_i32, %c0_i32_0 : i32, i32
  }
  func.func @transform_9(%arg0: i32) -> (i32, i32) {
    %c0_i32 = arith.constant 0 : i32
    %c0_i32_0 = arith.constant 0 : i32
    %c0_i32_1 = arith.constant 0 : i32
    return %c0_i32, %c0_i32_0 : i32, i32
  }
  func.func @transform_10(%arg0: i32) -> (i32, i32) {
    %c0_i32 = arith.constant 0 : i32
    %c0_i32_0 = arith.constant 0 : i32
    return %arg0, %c0_i32 : i32, i32
  }
  func.func @transform_11(%arg0: i32) -> (i32, i32) {
    %c0_i32 = arith.constant 0 : i32
    %c0_i32_0 = arith.constant 0 : i32
    return %arg0, %c0_i32 : i32, i32
  }
}

</mosaic_0001>

<sc_bundles>
// kernel: kernel.6.cloned.1.call-start
scs
__scs_entry_jumppad:
0x0: {  	(pc) =	sbr.rel $0x88, $3  }
0x1: {  	(tag) =	ssettag $0x0;
	lr =	simm.s32 $0x1  }
0x2: {  	[smem:$0x3F99] =	sst lr;
	_ =	strace $0xD0000000  }
0x3: {  	_ = 	snop  }
0x4: {  	_ = 	snop  }
0x5: {  	_ = 	snop  }
0x6: {  	_ = 	snop  }
0x7: {  	_ = 	snop  }
__scs_overlays_trampoline_lowered:
0x8: {  	[smem:$0x3FA8] =	sst s0  }
0x9: {  	[smem:$0x3FA9] =	sst s1  }
0xa: {  	[smem:$0x3FAA] =	sst s2  }
0xb: {  	[smem:$0x3FAB] =	sst s3  }
0xc: {  	[smem:$0x3FAC] =	sst s4  }
0xd: {  	[smem:$0x3FAD] =	sst s5  }
0xe: {  	[smem:$0x3FAE] =	sst s6  }
0xf: {  	[smem:$0x3FAF] =	sst s7  }
0x10: {  	[smem:$0x3FB0] =	sst s8  }
0x11: {  	[smem:$0x3FB1] =	sst s9;
	s0 =	simm.s32 @!p0 $0x0  }
0x12: {  	s1 =	sld [smem:$0x3F97];
	s0 =	simm.s32 @p0 $0x1  }
0x13: {  	[smem:$0x3FB2] =	sst s0;
	s0 =	simm.s32 @!p1 $0x0  }
0x14: {  	s2 =	sld [smem:$0x3F96];
	s0 =	simm.s32 @p1 $0x1  }
0x15: {  	[smem:$0x3FB3] =	sst s0;
	s0 =	simm.s32 @!p2 $0x0  }
0x16: {  	s3 =	sld [smem:$0x3FDB];
	s0 =	simm.s32 @p2 $0x1  }
0x17: {  	s4 =	simm.s32 $0x1BF5;
	[smem:$0x3FB5] =	sst s0  }
0x18: {  	s0 =	sld [smem:$0x3F98];
	_ =	swait.ge [sflag:s4], $0x0  }
0x19: {  	s7 =	sld [smem:$0x3F99]  }
0x1a: {  	s8 =	sadd.s32 $0xFFFFE003, lr  }
0x1b: {  	s9 =	sadd.s32 $0xFFFFFEF7, lr;
	s5 =	simm.s32 $0xFFFFFFFF;
	p2 =	slt.u32 s8, $0xFFFFF086  }
0x1c: {  	p1 =	slt.u32 s9, $0xF7A;
	s5 =	simm.s32 @!p2 $0x0  }
0x1d: {  	s5 =	simm.s32 @p1 $0x1;
	p0 =	seq.s32 s7, s2  }
0x1e: {  	s7 =	smul.u32 @!p0 $0xF7A, s2;
	p2 =	seq.s32 @!p0 s5, $0x0  }
0x1f: {  	s9 =	smul.u32 $0xF7A, s1;
	s8 =	simm.s32 @!p0 $0x1BF5;
	p2 =	por !p2, p0  }
0x20: {  	[sflag:s8] =	ssyncset.s32 @!p0 $0xFFFFF086;
	s6 =	sadd.s32 @!p0 s3, s7;
	s7 =	simm.s32 @!p0 $0x108  }
0x21: {  	s3 =	sadd.s32 s3, s9;
	s6 =	sadd.s32 @!p0 $0x88, s6;
	s7 =	simm.s32 @p2 $0x1082  }
0x22: {  	[simem:s7], [sflag:s8] =	dma.local @!p0 [hbm:s6], $0xF7A  }
0x23: {  	s9 =	sor.u32 $0xD0000000, s2;
	s6 =	simm.s32 $0x108;
	_ =	swait.ge @!p0 [sflag:s8], $0x0  }
0x24: {  	s3 =	sadd.s32 $0x88, s3;
	s6 =	simm.s32 @!p1 $0x1082;
	[sflag:s4] =	ssyncset.s32 $0xFFFFF086  }
0x25: {  	[simem:s6], [sflag:s4] =	dma.local [hbm:s3], $0xF7A  }
0x26: {  	[smem:$0x3F99] =	sst s1;
	(tag) =	ssettag s2;
	_ =	strace s9  }
0x27: {  	s1 =	sld [smem:$0x3FA9]  }
0x28: {  	s2 =	sld [smem:$0x3FAA]  }
0x29: {  	s4 =	sld [smem:$0x3FAC]  }
0x2a: {  	p0 =	seq.s32 s5, $0x0;
	s5 =	sld [smem:$0x3FAD]  }
0x2b: {  	s6 =	sld [smem:$0x3FAE]  }
0x2c: {  	s7 =	sld [smem:$0x3FAF]  }
0x2d: {  	s3 =	simm.s32 $0x108;
	s8 =	sld [smem:$0x3FB0]  }
0x2e: {  	s3 =	simm.s32 @!p0 $0x1082;
	s9 =	sld [smem:$0x3FB1]  }
0x2f: {  	lr =	sadd.s32 s0, s3;
	s0 =	sld [smem:$0x3FA8]  }
0x30: {  	s3 =	sld [smem:$0x3FAB]  }
0x31: {  	[smem:$0x3FB4] =	sst s10  }
0x32: {  	s10 =	sld [smem:$0x3FB2];
	_ =	sdelay $0x3  }
0x33: {  	p0 =	seq.s32 s10, $0x1;
	s10 =	sld [smem:$0x3FB4];
	_ =	sdelay $0x3  }
0x34: {  	[smem:$0x3FB4] =	sst s10  }
0x35: {  	s10 =	sld [smem:$0x3FB3];
	_ =	sdelay $0x3  }
0x36: {  	p1 =	seq.s32 s10, $0x1;
	s10 =	sld [smem:$0x3FB4];
	_ =	sdelay $0x3  }
0x37: {  	[smem:$0x3FB4] =	sst s10  }
0x38: {  	s10 =	sld [smem:$0x3FB5]  }
0x39: {  	_ = 	snop;
	(pc) =	sbr.ind lr, $3  }
0x3a: {  	_ = 	snop  }
0x3b: {  	_ = 	snop  }
0x3c: {  	p2 =	seq.s32 s10, $0x1;
	s10 =	sld [smem:$0x3FB4]  }
0x3d: {  	_ =	shalt  }
0x3e: {  	_ =	shalt  }
0x3f: {  	_ =	shalt  }
0x40: {  	_ =	shalt  }
0x41: {  	_ =	shalt  }
0x42: {  	_ =	shalt  }
0x43: {  	_ =	shalt  }
0x44: {  	_ =	shalt  }
0x45: {  	_ =	shalt  }
0x46: {  	_ =	shalt  }
0x47: {  	_ =	shalt  }
0x48: {  	_ =	shalt  }
0x49: {  	_ =	shalt  }
0x4a: {  	_ =	shalt  }
0x4b: {  	_ =	shalt  }
0x4c: {  	_ =	shalt  }
0x4d: {  	_ =	shalt  }
0x4e: {  	_ =	shalt  }
0x4f: {  	_ =	shalt  }
0x50: {  	_ =	shalt  }
0x51: {  	_ =	shalt  }
0x52: {  	_ =	shalt  }
0x53: {  	_ =	shalt  }
0x54: {  	_ =	shalt  }
0x55: {  	_ =	shalt  }
0x56: {  	_ =	shalt  }
0x57: {  	_ =	shalt  }
0x58: {  	_ =	shalt  }
0x59: {  	_ =	shalt  }
0x5a: {  	_ =	shalt  }
0x5b: {  	_ =	shalt  }
0x5c: {  	_ =	shalt  }
0x5d: {  	_ =	shalt  }
0x5e: {  	_ =	shalt  }
0x5f: {  	_ =	shalt  }
0x60: {  	_ =	shalt  }
0x61: {  	_ =	shalt  }
0x62: {  	_ =	shalt  }
0x63: {  	_ =	shalt  }
0x64: {  	_ =	shalt  }
0x65: {  	_ =	shalt  }
0x66: {  	_ =	shalt  }
0x67: {  	_ =	shalt  }
0x68: {  	_ =	shalt  }
0x69: {  	_ =	shalt  }
0x6a: {  	_ =	shalt  }
0x6b: {  	_ =	shalt  }
0x6c: {  	_ =	shalt  }
0x6d: {  	_ =	shalt  }
0x6e: {  	_ =	shalt  }
0x6f: {  	_ =	shalt  }
0x70: {  	_ =	shalt  }
0x71: {  	_ =	shalt  }
0x72: {  	_ =	shalt  }
0x73: {  	_ =	shalt  }
0x74: {  	_ =	shalt  }
0x75: {  	_ =	shalt  }
0x76: {  	_ =	shalt  }
0x77: {  	_ =	shalt  }
0x78: {  	_ =	shalt  }
0x79: {  	_ =	shalt  }
0x7a: {  	_ =	shalt  }
0x7b: {  	_ =	shalt  }
0x7c: {  	_ =	shalt  }
0x7d: {  	_ =	shalt  }
0x7e: {  	_ =	shalt  }
0x7f: {  	_ =	shalt  }
0x80: {  	_ =	shalt  }
0x81: {  	_ =	shalt  }
0x82: {  	_ =	shalt  }
0x83: {  	_ =	shalt  }
0x84: {  	_ =	shalt  }
0x85: {  	_ =	shalt  }
0x86: {  	_ =	shalt  }
0x87: {  	_ =	shalt  }
.Lfunc_end0:
.L_simem_size_0:
called_computation_lowered:
.L_overlay_start_0:
0x88: {  	s2 =	sld [smem:$0x3FD9]  }
0x89: {  	s3 =	sld [smem:$0x3FFE];
	_ =	sdelay $0x1  }
0x8a: {  	s1 =	srdreg.scid  }
0x8b: {  	s0 =	sand.u32 $0x1, s1  }
0x8c: {  	s17 =	sshll.u32 s0, $0xA;
	s2 =	sadd.s32 s3, s2  }
0x8d: {  	s2 =	sadd.s32 s2, s17  }
0x8e: {  	[smem:$0x3FC0] =	sst s2  }
0x8f: {  	_ = 	snop  }
0x90: {  	s2 =	sld [smem:$0x3FD0];
	(tm) =	ssettm $0x1  }
0x91: {  	s18 =	sld [smem:$0x3FFB];
	_ =	sdelay $0x3  }
0x92: {  	_ =	strace s18  }
0x93: {  	s3 =	sld [smem:$0x3FFC];
	_ =	sdelay $0x3  }
0x94: {  	_ =	strace s3  }
0x95: {  	s3 =	sld [smem:$0x3FFD];
	_ =	sdelay $0x3  }
0x96: {  	_ =	strace s3  }
0x97: {  	_ =	strace $0x8FFFFFFF  }
0x98: {  	s19 =	sld [smem:$0x3FDB];
	_ =	sdelay $0x1  }
0x99: {  	s4 =	simm.s32 $_scs_section_size  }
0x9a: {  	s5 =	simm.s32 $_size__tile_overlayer_lowered;
	s6 =	simm.s32 $_tile_overlayer_lowered  }
0x9b: {  	s22 =	simm.s32 $0x1BFF;
	s21 =	sshll.u32 s6, $0x1;
	s3 =	sadd.s32 s4, s19  }
0x9c: {  	s7 =	simm.s32 $0x0;
	s20 =	sshll.u32 s5, $0x1;
	s5 =	sadd.s32 s21, s3  }
0x9d: {  	[timem:s7], [sflag:s22] =	dma.local [hbm:s5], s20  }
0x9e: {  	_ =	swait.ge [sflag:s22], s20  }
0x9f: {  	s4 =	ssub.s32 $0x0, s20;
	[sflag:s22] =	ssyncset.done $0x0  }
0xa0: {  	[sflag:s22] =	ssyncadd.s32 s4;
	_ =	sdelay $0x1  }
0xa1: {  	s23 =	simm.s32 $0x1B8B  }
0xa2: {  	_ =	swait.ge [sflag:s23], $0x1  }
0xa3: {  	[sflag:s23] =	ssyncset.done $0x0  }
0xa4: {  	s25 =	simm.s32 $0x1B8E;
	s24 =	sld [smem:$0x3FFE];
	[sflag:s23] =	ssyncadd.s32 $0xFFFFFFFF  }
0xa5: {  	s26 =	simm.s32 $execute0_lowered;
	[smem:$0x3FD2] =	sst s25  }
0xa6: {  	s5 =	sshll.u32 s26, $0x1;
	_ =	strace $0x80000046;
	[dreg:$0x1] =	wrdreg $0xFFFFFFFF  }
0xa7: {  	s28 =	simm.s32 $_size_execute0_lowered;
	s3 =	sadd.s32 s3, s5;
	[dreg:$0x0] =	wrdreg $0x0  }
0xa8: {  	s5 =	sshll.u32 s28, $0x1;
	[dreg:$0x2] =	wrdreg s3  }
0xa9: {  	[dreg:$0x3] =	wrdreg s5  }
0xaa: {  	[dreg:$0x4] =	wrdreg $0xC0  }
0xab: {  	_ =	task [dreg:s7], $0x5FFFF  }
0xac: {  	[dreg:$0x1] =	wrdreg $0xFFFFFFFF  }
0xad: {  	[dreg:$0x0] =	wrdreg $0x60  }
0xae: {  	[dreg:$0x2] =	wrdreg s24  }
0xaf: {  	[dreg:$0x3] =	wrdreg s2  }
0xb0: {  	[dreg:$0x4] =	wrdreg $0x0  }
0xb1: {  	[dreg:$0x5] =	wrdreg $0x9  }
0xb2: {  	_ =	task.clear_ibuf [dreg:s7], $0x6FFFF;
	_ =	strace $0x90000046  }
0xb3: {  	s29 =	simm.s32 $0x9;
	_ =	strace $0x80000048  }
0xb4: {  	_ =	swait.ge [sflag:s29], $0x1  }
0xb5: {  	[sflag:s29] =	ssyncadd.s32 $0xFFFFFFFF  }
0xb6: {  	_ =	strace $0x90000048  }
0xb7: {  	_ =	sfence  }
0xb8: {  	s30 =	sld [smem:$0x0];
	_ =	sdelay $0x2  }
0xb9: {  	s31 =	sshll.u32 s1, $0xD;
	s1 =	sshrl.u32 s1, $0x2  }
0xba: {  	s3 =	sand.u32 $0x4000, s31;
	s1 =	sadd.s32 s1, s30  }
0xbb: {  	s0 =	sor.u32 s3, s0;
	s1 =	sshll.u32 s1, $0x11  }
0xbc: {  	s0 =	sor.u32 s1, s0  }
0xbd: {  	s0 =	sadd.s32 $0x8F2B, s0  }
0xbe: {  	[sflag:s0] =	ssyncadd.remote.s32 $0x1  }
0xbf: {  	_ =	sfence.sel $0xFFFF  }
0xc0: {  	[dreg:$0x0] =	wrdreg $0xFFFFFFFF;
	(pc) =	sbr.abs _section_cstart, $3  }
0xc1: {  	[dreg:$0x1] =	wrdreg $0xFFFFFFFF  }
0xc2: {  	_ =	task.clear_ibuf [dreg:s7], $0x2FFFF;
	_ =	strace $0x9FFFFFFF  }
0xc3: {  	(tm) =	ssettm $0x7FFFFFFF  }
tec
execute0_lowered:
.L_overlay_start_1:
0x0: {  	(tag) =	ssettag $0x1  }
0x1: {  	s5 =	rddreg [dreg:$0x0]  }
0x2: {  	s6 =	rddreg [dreg:$0x1]  }
0x3: {  	s0 =	srdreg.scid;
	s2 =	rddreg [dreg:$0x2]  }
0x4: {  	s3 =	simm.s32 $0x0;
	s10 =	simm.s32 $0x280;
	s11 =	simm.s32 $0x80  }
0x5: {  	s12 =	simm.s32 $0x1900;
	s4 =	sand.u32 $0x1, s0;
	s0 =	stileid.u32  }
0x6: {  	s13 =	simm.s32 $0x0;
	s1 =	sshll.u32 s4, $0x4;
	s8 =	smul.u32 $0x280, s0  }
0x7: {  	s9 =	smul.u32 $0x2800, s4;
	s4 =	ssub.s32 $0x2, s4;
	s1 =	sor.u32 s0, s1  }
0x8: {  	[smem:$0x7FF] =	sst s3;
	s30 =	sshrl.u32 s4, $0x1;
	s7 =	smul.u32 $0x280, s1  }
0x9: {  	s1 =	rddreg [dreg:$0x3];
	_ =	strace $0x80000047;
	s9 =	sadd.s32 s8, s9  }
0xa: {  	s31 =	sshrl.u32 s9, $0x3;
	s9 =	simm.s32 $0x1;
	s5 =	sadd.s32 s7, s5  }
0xb: {  	s7 =	ssub.s32 s4, s30;
	s4 =	sadd.s32 s8, s2;
	s6 =	sadd.s32 s6, s31  }
0xc: {  	v0 =	vimm.f32 $0.0e+00;
	v1 =	vimm.f32 $1.000000000e+00;
	s8 =	simm.s32 $0x1680;
	s5 =	sadd.s32 $0x1E00, s5;
	s7 =	smax.u32 s7, $0x1  }
.LBB2_1:
0xd: {  	[tilespmem:$0x1680] =	vst v0  }
0xe: {  	[tilespmem:$0x1690] =	vst v0  }
0xf: {  	[tilespmem:$0x16A0] =	vst v0  }
0x10: {  	[tilespmem:$0x16B0] =	vst v0  }
0x11: {  	[tilespmem:$0x16C0] =	vst v0  }
0x12: {  	[tilespmem:$0x16D0] =	vst v0  }
0x13: {  	[tilespmem:$0x16E0] =	vst v0  }
0x14: {  	[tilespmem:$0x16F0] =	vst v0  }
0x15: {  	[tilespmem:$0x1700] =	vst v0  }
0x16: {  	[tilespmem:$0x1710] =	vst v0  }
0x17: {  	[tilespmem:$0x1720] =	vst v0  }
0x18: {  	[tilespmem:$0x1730] =	vst v0  }
0x19: {  	[tilespmem:$0x1740] =	vst v0  }
0x1a: {  	[tilespmem:$0x1750] =	vst v0  }
0x1b: {  	[tilespmem:$0x1760] =	vst v0  }
0x1c: {  	[tilespmem:$0x1770] =	vst v0  }
0x1d: {  	[tilespmem:$0x1780] =	vst v0  }
0x1e: {  	[tilespmem:$0x1790] =	vst v0  }
0x1f: {  	[tilespmem:$0x17A0] =	vst v0  }
0x20: {  	[tilespmem:$0x17B0] =	vst v0  }
0x21: {  	[tilespmem:$0x17C0] =	vst v0  }
0x22: {  	[tilespmem:$0x17D0] =	vst v0  }
0x23: {  	[tilespmem:$0x17E0] =	vst v0  }
0x24: {  	[tilespmem:$0x17F0] =	vst v0  }
0x25: {  	[tilespmem:$0x1800] =	vst v0  }
0x26: {  	[tilespmem:$0x1810] =	vst v0  }
0x27: {  	[tilespmem:$0x1820] =	vst v0  }
0x28: {  	[tilespmem:$0x1830] =	vst v0  }
0x29: {  	[tilespmem:$0x1840] =	vst v0  }
0x2a: {  	[tilespmem:$0x1850] =	vst v0  }
0x2b: {  	[tilespmem:$0x1860] =	vst v0  }
0x2c: {  	[tilespmem:$0x1870] =	vst v0  }
0x2d: {  	[tilespmem:$0x1880] =	vst v0  }
0x2e: {  	[tilespmem:$0x1890] =	vst v0  }
0x2f: {  	[tilespmem:$0x18A0] =	vst v0  }
0x30: {  	[tilespmem:$0x18B0] =	vst v0  }
0x31: {  	[tilespmem:$0x18C0] =	vst v0  }
0x32: {  	[tilespmem:$0x18D0] =	vst v0  }
0x33: {  	[tilespmem:$0x18E0] =	vst v0  }
0x34: {  	[tilespmem:$0x18F0] =	vst v0  }
0x35: {  	[tilespmem:$0x1900] =	vst v1  }
0x36: {  	[tilespmem:$0x1910] =	vst v1  }
0x37: {  	[tilespmem:$0x1920] =	vst v1  }
0x38: {  	[tilespmem:$0x1930] =	vst v1  }
0x39: {  	[tilespmem:$0x1940] =	vst v1  }
0x3a: {  	[tilespmem:$0x1950] =	vst v1  }
0x3b: {  	[tilespmem:$0x1960] =	vst v1  }
0x3c: {  	[tilespmem:$0x1970] =	vst v1  }
0x3d: {  	[spmem:s4] =	stream.linear.scatter [tilespmem:s8], [sflag:$0x1], $0x280, $0x38;
	[tilespmem:$0x1980] =	vst v63  }
0x3e: {  	_ =	swait.ge [sflag:s9], $0x280  }
0x3f: {  	[sflag:s9] =	ssyncset.done $0x0  }
0x40: {  	[sflag:s9] =	ssyncadd.s32 $0xFFFFFD80  }
0x41: {  	[tilespmem:s10], [sflag:$0x1] =	stream.linear.gather [hbm4b:s5+s3], $0x1400, $0x38;
	[tilespmem:$0x1980] =	vst v63  }
0x42: {  	_ =	swait.ge [sflag:s9], $0x1400  }
0x43: {  	[sflag:s9] =	ssyncset.done $0x0  }
0x44: {  	[sflag:s9] =	ssyncadd.s32 $0xFFFFEC00  }
0x45: {  	s14 =	simm.s32 $0x280;
	[bflag:$0x0] =	sbarrier.arrive $0xFFFF  }
0x46: {  	[spmem:s2] =	stream.indirect.scatter.add.f32 [tilespmem:s12], [sflag:$0x1], $0x1, s14, s11, $0xb8;
	[tilespmem:$0x1980] =	vst v63  }
0x47: {  	s14 =	simm.s32 $0x200;
	_ =	swait.ge [sflag:s9], $0x80  }
.LBB2_2:
0x48: {  	s15 =	sshra.s32 s14, $0x2;
	[sflag:s9] =	ssyncset.done $0x0;
	p0 =	sne.s32 s14, $0x4E00  }
.Ltmp0:
0x49: {  	s15 =	sadd.s32 $0x280, s15;
	[sflag:s9] =	ssyncadd.s32 $0xFFFFFF80;
	(pc) =	sbr.rel @p0 .LBB2_2-.Ltmp0, $3  }
0x4a: {  	[spmem:s2] =	stream.indirect.scatter.add.f32 [tilespmem:s12], [sflag:$0x1], $0x1, s15, s11, $0xb8;
	[tilespmem:$0x1980] =	vst v63  }
0x4b: {  	s14 =	sadd.s32 $0x200, s14;
	_ =	sdelay $0x1  }
0x4c: {  	_ =	swait.ge [sflag:s9], $0x80  }
0x4d: {  	[sflag:s9] =	ssyncset.done $0x0  }
0x4e: {  	[sflag:s9] =	ssyncadd.s32 $0xFFFFFF80  }
0x4f: {  	[bflag:$0x0] =	sbarrier.arrive $0xFFFF  }
0x50: {  	[tilespmem:s8], [sflag:$0x1] =	stream.linear.gather [spmem:s4], $0x280, $0x38;
	[tilespmem:$0x1980] =	vst v63  }
0x51: {  	s13 =	sadd.s32 $0x1, s13;
	_ =	swait.ge [sflag:s9], $0x280  }
0x52: {  	p0 =	sne.s32 s13, s7;
	[sflag:s9] =	ssyncset.done $0x0  }
.Ltmp1:
0x53: {  	[sflag:s9] =	ssyncadd.s32 $0xFFFFFD80;
	(pc) =	sbr.rel @p0 .LBB2_1-.Ltmp1, $4  }
0x54: {  	[hbm4b:s6+s3] =	stream.linear.scatter [tilespmem:s8], [sflag:$0x1], $0x280, $0x38;
	[tilespmem:$0x1980] =	vst v63  }
0x55: {  	_ =	swait.ge [sflag:s9], $0x280  }
0x56: {  	[sflag:s9] =	ssyncset.done $0x0  }
0x57: {  	[sflag:s9] =	ssyncadd.s32 $0xFFFFFD80  }
0x58: {  	_ =	sfence.sel $0x180000  }
0x59: {  	[bflag:$0x0] =	sbarrier.arrive $0xFFFF  }
0x5a: {  	p0 =	sne.s32 s0, $0x0;
	_ =	strace $0x90000047  }
0x5b: {  	s0 =	sadd.s32 @!p0 $0x100000, s1;
	[bflag:$0x2] =	sbarrier.arrive $0xFFFF  }
0x5c: {  	[sflag:s0] =	ssyncadd.tile.s32 @!p0 $0x1;
	_ =	shalt  }
.Lfunc_end2:
_tile_overlayer_lowered:
.L_overlay_start_2:
0x5d: {  	(tag) =	ssettag $0x2  }
0x5e: {  	s0 =	rddreg [dreg:$0x0];
	s2 =	stileid.u32  }
0x5f: {  	s1 =	rddreg [dreg:$0x1];
	p0 =	sne.s32 s2, $0x0  }
0x60: {  	s3 =	rddreg [dreg:$0x2];
	[bflag:$0x3] =	sbarrier.arrive $0xFFFF;
	s2 =	simm.s32 @!p0 $0x1C01  }
0x61: {  	[timem:s3], [sflag:s2] =	dma.local @!p0 [hbm:s0], s1  }
0x62: {  	s0 =	simm.s32 @!p0 $0x1  }
0x63: {  	_ =	swait.ge @!p0 [sflag:s0], s1  }
0x64: {  	s1 =	ssub.s32 @!p0 $0x0, s1;
	[sflag:s0] =	ssyncset.done @!p0 $0x0  }
0x65: {  	[sflag:s0] =	ssyncadd.s32 @!p0 s1  }
0x66: {  	[bflag:$0x3] =	sbarrier.arrive $0xFFFF  }
0x67: {  	_ =	shalt  }

// kernel: kernel.9.cloned.1.call-start
scs
__scs_entry_jumppad:
0x0: {  	(pc) =	sbr.rel $0x88, $3  }
0x1: {  	(tag) =	ssettag $0x0;
	lr =	simm.s32 $0x1  }
0x2: {  	[smem:$0x3F99] =	sst lr;
	_ =	strace $0xD0000000  }
0x3: {  	_ = 	snop  }
0x4: {  	_ = 	snop  }
0x5: {  	_ = 	snop  }
0x6: {  	_ = 	snop  }
0x7: {  	_ = 	snop  }
__scs_overlays_trampoline_lowered:
0x8: {  	[smem:$0x3FA8] =	sst s0  }
0x9: {  	[smem:$0x3FA9] =	sst s1  }
0xa: {  	[smem:$0x3FAA] =	sst s2  }
0xb: {  	[smem:$0x3FAB] =	sst s3  }
0xc: {  	[smem:$0x3FAC] =	sst s4  }
0xd: {  	[smem:$0x3FAD] =	sst s5  }
0xe: {  	[smem:$0x3FAE] =	sst s6  }
0xf: {  	[smem:$0x3FAF] =	sst s7  }
0x10: {  	[smem:$0x3FB0] =	sst s8  }
0x11: {  	[smem:$0x3FB1] =	sst s9;
	s0 =	simm.s32 @!p0 $0x0  }
0x12: {  	s1 =	sld [smem:$0x3F97];
	s0 =	simm.s32 @p0 $0x1  }
0x13: {  	[smem:$0x3FB2] =	sst s0;
	s0 =	simm.s32 @!p1 $0x0  }
0x14: {  	s2 =	sld [smem:$0x3F96];
	s0 =	simm.s32 @p1 $0x1  }
0x15: {  	[smem:$0x3FB3] =	sst s0;
	s0 =	simm.s32 @!p2 $0x0  }
0x16: {  	s3 =	sld [smem:$0x3FDB];
	s0 =	simm.s32 @p2 $0x1  }
0x17: {  	s4 =	simm.s32 $0x1BF5;
	[smem:$0x3FB5] =	sst s0  }
0x18: {  	s0 =	sld [smem:$0x3F98];
	_ =	swait.ge [sflag:s4], $0x0  }
0x19: {  	s7 =	sld [smem:$0x3F99]  }
0x1a: {  	s8 =	sadd.s32 $0xFFFFE003, lr  }
0x1b: {  	s9 =	sadd.s32 $0xFFFFFEF7, lr;
	s5 =	simm.s32 $0xFFFFFFFF;
	p2 =	slt.u32 s8, $0xFFFFF086  }
0x1c: {  	p1 =	slt.u32 s9, $0xF7A;
	s5 =	simm.s32 @!p2 $0x0  }
0x1d: {  	s5 =	simm.s32 @p1 $0x1;
	p0 =	seq.s32 s7, s2  }
0x1e: {  	s7 =	smul.u32 @!p0 $0xF7A, s2;
	p2 =	seq.s32 @!p0 s5, $0x0  }
0x1f: {  	s9 =	smul.u32 $0xF7A, s1;
	s8 =	simm.s32 @!p0 $0x1BF5;
	p2 =	por !p2, p0  }
0x20: {  	[sflag:s8] =	ssyncset.s32 @!p0 $0xFFFFF086;
	s6 =	sadd.s32 @!p0 s3, s7;
	s7 =	simm.s32 @!p0 $0x108  }
0x21: {  	s3 =	sadd.s32 s3, s9;
	s6 =	sadd.s32 @!p0 $0x88, s6;
	s7 =	simm.s32 @p2 $0x1082  }
0x22: {  	[simem:s7], [sflag:s8] =	dma.local @!p0 [hbm:s6], $0xF7A  }
0x23: {  	s9 =	sor.u32 $0xD0000000, s2;
	s6 =	simm.s32 $0x108;
	_ =	swait.ge @!p0 [sflag:s8], $0x0  }
0x24: {  	s3 =	sadd.s32 $0x88, s3;
	s6 =	simm.s32 @!p1 $0x1082;
	[sflag:s4] =	ssyncset.s32 $0xFFFFF086  }
0x25: {  	[simem:s6], [sflag:s4] =	dma.local [hbm:s3], $0xF7A  }
0x26: {  	[smem:$0x3F99] =	sst s1;
	(tag) =	ssettag s2;
	_ =	strace s9  }
0x27: {  	s1 =	sld [smem:$0x3FA9]  }
0x28: {  	s2 =	sld [smem:$0x3FAA]  }
0x29: {  	s4 =	sld [smem:$0x3FAC]  }
0x2a: {  	p0 =	seq.s32 s5, $0x0;
	s5 =	sld [smem:$0x3FAD]  }
0x2b: {  	s6 =	sld [smem:$0x3FAE]  }
0x2c: {  	s7 =	sld [smem:$0x3FAF]  }
0x2d: {  	s3 =	simm.s32 $0x108;
	s8 =	sld [smem:$0x3FB0]  }
0x2e: {  	s3 =	simm.s32 @!p0 $0x1082;
	s9 =	sld [smem:$0x3FB1]  }
0x2f: {  	lr =	sadd.s32 s0, s3;
	s0 =	sld [smem:$0x3FA8]  }
0x30: {  	s3 =	sld [smem:$0x3FAB]  }
0x31: {  	[smem:$0x3FB4] =	sst s10  }
0x32: {  	s10 =	sld [smem:$0x3FB2];
	_ =	sdelay $0x3  }
0x33: {  	p0 =	seq.s32 s10, $0x1;
	s10 =	sld [smem:$0x3FB4];
	_ =	sdelay $0x3  }
0x34: {  	[smem:$0x3FB4] =	sst s10  }
0x35: {  	s10 =	sld [smem:$0x3FB3];
	_ =	sdelay $0x3  }
0x36: {  	p1 =	seq.s32 s10, $0x1;
	s10 =	sld [smem:$0x3FB4];
	_ =	sdelay $0x3  }
0x37: {  	[smem:$0x3FB4] =	sst s10  }
0x38: {  	s10 =	sld [smem:$0x3FB5]  }
0x39: {  	_ = 	snop;
	(pc) =	sbr.ind lr, $3  }
0x3a: {  	_ = 	snop  }
0x3b: {  	_ = 	snop  }
0x3c: {  	p2 =	seq.s32 s10, $0x1;
	s10 =	sld [smem:$0x3FB4]  }
0x3d: {  	_ =	shalt  }
0x3e: {  	_ =	shalt  }
0x3f: {  	_ =	shalt  }
0x40: {  	_ =	shalt  }
0x41: {  	_ =	shalt  }
0x42: {  	_ =	shalt  }
0x43: {  	_ =	shalt  }
0x44: {  	_ =	shalt  }
0x45: {  	_ =	shalt  }
0x46: {  	_ =	shalt  }
0x47: {  	_ =	shalt  }
0x48: {  	_ =	shalt  }
0x49: {  	_ =	shalt  }
0x4a: {  	_ =	shalt  }
0x4b: {  	_ =	shalt  }
0x4c: {  	_ =	shalt  }
0x4d: {  	_ =	shalt  }
0x4e: {  	_ =	shalt  }
0x4f: {  	_ =	shalt  }
0x50: {  	_ =	shalt  }
0x51: {  	_ =	shalt  }
0x52: {  	_ =	shalt  }
0x53: {  	_ =	shalt  }
0x54: {  	_ =	shalt  }
0x55: {  	_ =	shalt  }
0x56: {  	_ =	shalt  }
0x57: {  	_ =	shalt  }
0x58: {  	_ =	shalt  }
0x59: {  	_ =	shalt  }
0x5a: {  	_ =	shalt  }
0x5b: {  	_ =	shalt  }
0x5c: {  	_ =	shalt  }
0x5d: {  	_ =	shalt  }
0x5e: {  	_ =	shalt  }
0x5f: {  	_ =	shalt  }
0x60: {  	_ =	shalt  }
0x61: {  	_ =	shalt  }
0x62: {  	_ =	shalt  }
0x63: {  	_ =	shalt  }
0x64: {  	_ =	shalt  }
0x65: {  	_ =	shalt  }
0x66: {  	_ =	shalt  }
0x67: {  	_ =	shalt  }
0x68: {  	_ =	shalt  }
0x69: {  	_ =	shalt  }
0x6a: {  	_ =	shalt  }
0x6b: {  	_ =	shalt  }
0x6c: {  	_ =	shalt  }
0x6d: {  	_ =	shalt  }
0x6e: {  	_ =	shalt  }
0x6f: {  	_ =	shalt  }
0x70: {  	_ =	shalt  }
0x71: {  	_ =	shalt  }
0x72: {  	_ =	shalt  }
0x73: {  	_ =	shalt  }
0x74: {  	_ =	shalt  }
0x75: {  	_ =	shalt  }
0x76: {  	_ =	shalt  }
0x77: {  	_ =	shalt  }
0x78: {  	_ =	shalt  }
0x79: {  	_ =	shalt  }
0x7a: {  	_ =	shalt  }
0x7b: {  	_ =	shalt  }
0x7c: {  	_ =	shalt  }
0x7d: {  	_ =	shalt  }
0x7e: {  	_ =	shalt  }
0x7f: {  	_ =	shalt  }
0x80: {  	_ =	shalt  }
0x81: {  	_ =	shalt  }
0x82: {  	_ =	shalt  }
0x83: {  	_ =	shalt  }
0x84: {  	_ =	shalt  }
0x85: {  	_ =	shalt  }
0x86: {  	_ =	shalt  }
0x87: {  	_ =	shalt  }
.Lfunc_end0:
.L_simem_size_0:
called_computation.1_lowered:
.L_overlay_start_0:
0x88: {  	s2 =	sld [smem:$0x3FD9]  }
0x89: {  	s3 =	sld [smem:$0x3FFE];
	_ =	sdelay $0x1  }
0x8a: {  	s1 =	srdreg.scid  }
0x8b: {  	s0 =	sand.u32 $0x1, s1  }
0x8c: {  	s16 =	sshll.u32 s0, $0xA;
	s2 =	sadd.s32 s3, s2  }
0x8d: {  	s2 =	sadd.s32 s2, s16  }
0x8e: {  	[smem:$0x3FC0] =	sst s2  }
0x8f: {  	_ = 	snop  }
0x90: {  	(tm) =	ssettm $0x1  }
0x91: {  	s17 =	sld [smem:$0x3FFB];
	_ =	sdelay $0x3  }
0x92: {  	_ =	strace s17  }
0x93: {  	s2 =	sld [smem:$0x3FFC];
	_ =	sdelay $0x3  }
0x94: {  	_ =	strace s2  }
0x95: {  	s2 =	sld [smem:$0x3FFD];
	_ =	sdelay $0x3  }
0x96: {  	_ =	strace s2  }
0x97: {  	_ =	strace $0x8FFFFFFF  }
0x98: {  	s18 =	sld [smem:$0x3FDB];
	_ =	sdelay $0x1  }
0x99: {  	s19 =	simm.s32 $_scs_section_size  }
0x9a: {  	s4 =	simm.s32 $_size__tile_overlayer_lowered;
	s5 =	simm.s32 $_tile_overlayer_lowered  }
0x9b: {  	s22 =	simm.s32 $0x1BFF;
	s21 =	sshll.u32 s5, $0x1;
	s2 =	sadd.s32 s19, s18  }
0x9c: {  	s6 =	simm.s32 $0x0;
	s20 =	sshll.u32 s4, $0x1;
	s4 =	sadd.s32 s21, s2  }
0x9d: {  	[timem:s6], [sflag:s22] =	dma.local [hbm:s4], s20  }
0x9e: {  	_ =	swait.ge [sflag:s22], s20  }
0x9f: {  	s3 =	ssub.s32 $0x0, s20;
	[sflag:s22] =	ssyncset.done $0x0  }
0xa0: {  	[sflag:s22] =	ssyncadd.s32 s3;
	_ =	sdelay $0x1  }
0xa1: {  	s23 =	simm.s32 $0x1B8B  }
0xa2: {  	_ =	swait.ge [sflag:s23], $0x1  }
0xa3: {  	[sflag:s23] =	ssyncset.done $0x0  }
0xa4: {  	s25 =	simm.s32 $0x1B8E;
	s24 =	sld [smem:$0x3FFE];
	[sflag:s23] =	ssyncadd.s32 $0xFFFFFFFF  }
0xa5: {  	s26 =	simm.s32 $execute0_lowered;
	[smem:$0x3FD2] =	sst s25  }
0xa6: {  	s4 =	sshll.u32 s26, $0x1;
	_ =	strace $0x80000049;
	[dreg:$0x1] =	wrdreg $0xFFFFFFFF  }
0xa7: {  	s28 =	simm.s32 $_size_execute0_lowered;
	s2 =	sadd.s32 s2, s4;
	[dreg:$0x0] =	wrdreg $0x0  }
0xa8: {  	s4 =	sshll.u32 s28, $0x1;
	[dreg:$0x2] =	wrdreg s2  }
0xa9: {  	[dreg:$0x3] =	wrdreg s4  }
0xaa: {  	[dreg:$0x4] =	wrdreg $0xC0  }
0xab: {  	_ =	task [dreg:s6], $0x5FFFF  }
0xac: {  	[dreg:$0x1] =	wrdreg $0xFFFFFFFF  }
0xad: {  	[dreg:$0x0] =	wrdreg $0x60  }
0xae: {  	[dreg:$0x2] =	wrdreg s24  }
0xaf: {  	[dreg:$0x3] =	wrdreg $0x0  }
0xb0: {  	[dreg:$0x4] =	wrdreg $0x9  }
0xb1: {  	_ =	task.clear_ibuf [dreg:s6], $0x5FFFF;
	_ =	strace $0x90000049  }
0xb2: {  	s29 =	simm.s32 $0x9;
	_ =	strace $0x8000004B  }
0xb3: {  	_ =	swait.ge [sflag:s29], $0x1  }
0xb4: {  	[sflag:s29] =	ssyncadd.s32 $0xFFFFFFFF  }
0xb5: {  	_ =	strace $0x9000004B  }
0xb6: {  	_ =	sfence  }
0xb7: {  	s30 =	sld [smem:$0x0];
	_ =	sdelay $0x2  }
0xb8: {  	s31 =	sshll.u32 s1, $0xD;
	s1 =	sshrl.u32 s1, $0x2  }
0xb9: {  	s3 =	sand.u32 $0x4000, s31;
	s1 =	sadd.s32 s1, s30  }
0xba: {  	s0 =	sor.u32 s3, s0;
	s1 =	sshll.u32 s1, $0x11  }
0xbb: {  	s0 =	sor.u32 s1, s0  }
0xbc: {  	s0 =	sadd.s32 $0x8F2B, s0  }
0xbd: {  	[sflag:s0] =	ssyncadd.remote.s32 $0x1  }
0xbe: {  	_ =	sfence.sel $0xFFFF  }
0xbf: {  	[dreg:$0x0] =	wrdreg $0xFFFFFFFF;
	(pc) =	sbr.abs _section_cstart, $3  }
0xc0: {  	[dreg:$0x1] =	wrdreg $0xFFFFFFFF  }
0xc1: {  	_ =	task.clear_ibuf [dreg:s6], $0x2FFFF;
	_ =	strace $0x9FFFFFFF  }
0xc2: {  	(tm) =	ssettm $0x7FFFFFFF  }
0xc3: {  	_ =	shalt  }
tec
execute0_lowered:
.L_overlay_start_1:
0x0: {  	(tag) =	ssettag $0x1  }
0x1: {  	s0 =	rddreg [dreg:$0x0];
	s15 =	stileid.u32  }
0x2: {  	s1 =	rddreg [dreg:$0x1];
	s9 =	smul.u32 $0x50000, s15  }
0x3: {  	s3 =	simm.s32 $0x0;
	s2 =	srdreg.scid;
	s13 =	smul.u32 $0x2800, s15  }
0x4: {  	[smem:$0x7FF] =	sst s3;
	s2 =	sand.u32 $0x1, s2;
	s12 =	smul.u32 $0x50, s15  }
0x5: {  	s4 =	sadd.s32 $0xBFE00, s0;
	s6 =	sadd.s32 $0xABE00, s0;
	s19 =	smul.u32 $0x280, s15  }
0x6: {  	s7 =	sadd.s32 $0x6E00, s0;
	s16 =	sadd.s32 $0x15FE00, s0;
	s5 =	smul.u32 $0x28000, s2  }
0x7: {  	_ =	strace $0x8000004A;
	s8 =	ssub.s32 $0x2, s2;
	s20 =	smul.u32 $0x2800, s2  }
0x8: {  	s2 =	sor.u32 $0x2, s2;
	s10 =	sshrl.u32 s8, $0x1;
	s21 =	sshrl.u32 s9, $0x2  }
0x9: {  	s18 =	sor.u32 $0x80, s13;
	s23 =	sshrl.u32 s13, $0x3;
	s25 =	sor.u32 $0x100, s13  }
0xa: {  	s10 =	ssub.s32 s8, s10;
	s8 =	sadd.s32 $0xE6F00, s0;
	s11 =	sadd.s32 s13, s5  }
0xb: {  	s9 =	sadd.s32 s21, s1;
	s14 =	sadd.s32 s5, s18;
	s26 =	sadd.s32 s5, s25  }
0xc: {  	s29 =	sshrl.u32 s18, $0x3;
	s30 =	sshrl.u32 s25, $0x3;
	s20 =	sadd.s32 s20, s19  }
0xd: {  	s22 =	sshrl.u32 s11, $0x3;
	s11 =	sadd.s32 s7, s23;
	s24 =	sshrl.u32 s14, $0x3  }
0xe: {  	s17 =	sshrl.u32 s26, $0x3;
	s14 =	smul.u32 $0x28000, s2;
	s15 =	sadd.s32 s7, s29  }
0xf: {  	s2 =	smul.u32 $0x2800, s2;
	s20 =	sshll.u32 s20, $0x4;
	s26 =	sadd.s32 $0xC000, s9  }
0x10: {  	s28 =	sadd.s32 $0x10000, s9;
	s0 =	sadd.s32 s6, s22;
	s17 =	sadd.s32 s6, s17  }
0x11: {  	[dreg:$0x3] =	wrdreg s0;
	s0 =	sadd.s32 s6, s24;
	s13 =	sadd.s32 s13, s14  }
0x12: {  	[dreg:$0x5] =	wrdreg s17;
	s18 =	sadd.s32 s18, s14;
	s13 =	sshrl.u32 s13, $0x3  }
0x13: {  	[dreg:$0x4] =	wrdreg s0;
	s18 =	sshrl.u32 s18, $0x3;
	s13 =	sadd.s32 s6, s13  }
0x14: {  	s0 =	sadd.s32 s25, s14;
	s31 =	sadd.s32 s6, s18;
	[dreg:$0x6] =	wrdreg s13  }
0x15: {  	s18 =	sadd.s32 s2, s19;
	s19 =	smax.u32 s10, $0x1;
	[dreg:$0x7] =	wrdreg s31  }
0x16: {  	s0 =	sshrl.u32 s0, $0x3;
	s2 =	sadd.s32 s16, s20;
	[dreg:$0x9] =	wrdreg s19  }
0x17: {  	s22 =	sadd.s32 $0x4000, s9;
	s0 =	sadd.s32 s6, s0;
	[dreg:$0xa] =	wrdreg s2  }
0x18: {  	s17 =	sadd.s32 s7, s30;
	s21 =	sadd.s32 $0x800, s2;
	[dreg:$0x8] =	wrdreg s0  }
0x19: {  	s25 =	sadd.s32 $0x8000, s9;
	s23 =	sadd.s32 $0x1000, s2;
	[dreg:$0xc] =	wrdreg s21  }
0x1a: {  	s20 =	simm.s32 $0x14000;
	s24 =	sadd.s32 $0x1800, s2;
	[dreg:$0xd] =	wrdreg s23  }
0x1b: {  	s2 =	sadd.s32 $0x2000, s2;
	s0 =	sshll.u32 s18, $0x4;
	[dreg:$0xe] =	wrdreg s24  }
0x1c: {  	s10 =	simm.s32 $0x7;
	[dreg:$0xf] =	wrdreg s2;
	s0 =	sadd.s32 s16, s0  }
.Ltmp0:
0x1d: {  	s29 =	sadd.s32 $0x800, s0;
	[dreg:$0xb] =	wrdreg s0;
	(pc) =	sbr.rel .LBB2_1-.Ltmp0, $4  }
0x1e: {  	s19 =	simm.s32 $0xB;
	s30 =	sadd.s32 $0x1000, s0;
	[dreg:$0x10] =	wrdreg s29  }
0x1f: {  	s13 =	simm.s32 $0x0;
	s31 =	sadd.s32 $0x1800, s0;
	[dreg:$0x11] =	wrdreg s30  }
0x20: {  	s18 =	simm.s32 $0x14400;
	s0 =	sadd.s32 $0x2000, s0;
	[dreg:$0x12] =	wrdreg s31  }
0x21: {  	s2 =	simm.s32 $0x3;
	s21 =	simm.s32 $0x80;
	[dreg:$0x13] =	wrdreg s0  }
.LBB2_13:
0x22: {  	[bflag:$0x0] =	sbarrier.arrive $0xFFFF  }
0x23: {  	[tilespmem:s18], [sflag:$0xB] =	stream.linear.gather [spmem:s9], $0x4000, $0x38;
	[tilespmem:$0x1C400] =	vst v63  }
0x24: {  	_ =	swait.ge [sflag:s19], $0x4000  }
0x25: {  	[sflag:s19] =	ssyncset.done $0x0  }
0x26: {  	s0 =	rddreg [dreg:$0xb];
	[sflag:s19] =	ssyncadd.s32 $0xFFFFC000  }
0x27: {  	[hbm4b:s0+s3] =	stream.linear.scatter [tilespmem:s18], [sflag:$0xB], $0x4000, $0x38;
	[tilespmem:$0x1C400] =	vst v63  }
0x28: {  	_ =	swait.ge [sflag:s19], $0x4000  }
0x29: {  	[sflag:s19] =	ssyncset.done $0x0  }
0x2a: {  	[sflag:s19] =	ssyncadd.s32 $0xFFFFC000  }
0x2b: {  	[tilespmem:s18], [sflag:$0xB] =	stream.linear.gather [spmem:s22], $0x4000, $0x38;
	[tilespmem:$0x1C400] =	vst v63  }
0x2c: {  	_ =	swait.ge [sflag:s19], $0x4000  }
0x2d: {  	[sflag:s19] =	ssyncset.done $0x0  }
0x2e: {  	s23 =	rddreg [dreg:$0x10];
	[sflag:s19] =	ssyncadd.s32 $0xFFFFC000  }
0x2f: {  	[hbm4b:s23+s3] =	stream.linear.scatter [tilespmem:s18], [sflag:$0xB], $0x4000, $0x38;
	[tilespmem:$0x1C400] =	vst v63  }
0x30: {  	_ =	swait.ge [sflag:s19], $0x4000  }
0x31: {  	[sflag:s19] =	ssyncset.done $0x0  }
0x32: {  	[sflag:s19] =	ssyncadd.s32 $0xFFFFC000  }
0x33: {  	[tilespmem:s18], [sflag:$0xB] =	stream.linear.gather [spmem:s25], $0x4000, $0x38;
	[tilespmem:$0x1C400] =	vst v63  }
0x34: {  	_ =	swait.ge [sflag:s19], $0x4000  }
0x35: {  	[sflag:s19] =	ssyncset.done $0x0  }
0x36: {  	s24 =	rddreg [dreg:$0x11];
	[sflag:s19] =	ssyncadd.s32 $0xFFFFC000  }
0x37: {  	[hbm4b:s24+s3] =	stream.linear.scatter [tilespmem:s18], [sflag:$0xB], $0x4000, $0x38;
	[tilespmem:$0x1C400] =	vst v63  }
0x38: {  	_ =	swait.ge [sflag:s19], $0x4000  }
0x39: {  	[sflag:s19] =	ssyncset.done $0x0  }
0x3a: {  	[sflag:s19] =	ssyncadd.s32 $0xFFFFC000  }
0x3b: {  	[tilespmem:s18], [sflag:$0xB] =	stream.linear.gather [spmem:s26], $0x4000, $0x38;
	[tilespmem:$0x1C400] =	vst v63  }
0x3c: {  	_ =	swait.ge [sflag:s19], $0x4000  }
0x3d: {  	[sflag:s19] =	ssyncset.done $0x0  }
0x3e: {  	s29 =	rddreg [dreg:$0x12];
	[sflag:s19] =	ssyncadd.s32 $0xFFFFC000  }
0x3f: {  	[hbm4b:s29+s3] =	stream.linear.scatter [tilespmem:s18], [sflag:$0xB], $0x4000, $0x38;
	[tilespmem:$0x1C400] =	vst v63  }
0x40: {  	_ =	swait.ge [sflag:s19], $0x4000  }
0x41: {  	[sflag:s19] =	ssyncset.done $0x0  }
0x42: {  	[sflag:s19] =	ssyncadd.s32 $0xFFFFC000  }
0x43: {  	[tilespmem:s18], [sflag:$0xB] =	stream.linear.gather [spmem:s28], $0x4000, $0x38;
	[tilespmem:$0x1C400] =	vst v63  }
0x44: {  	_ =	swait.ge [sflag:s19], $0x4000  }
0x45: {  	[sflag:s19] =	ssyncset.done $0x0  }
0x46: {  	s30 =	rddreg [dreg:$0x13];
	[sflag:s19] =	ssyncadd.s32 $0xFFFFC000  }
0x47: {  	[hbm4b:s30+s3] =	stream.linear.scatter [tilespmem:s18], [sflag:$0xB], $0x4000, $0x38;
	[tilespmem:$0x1C400] =	vst v63  }
0x48: {  	_ =	swait.ge [sflag:s19], $0x4000  }
0x49: {  	s13 =	sadd.s32 $0x1, s13;
	s31 =	rddreg [dreg:$0x9]  }
0x4a: {  	p0 =	sne.s32 s13, s31  }
.Ltmp1:
0x4b: {  	_ = 	snop;
	(pc) =	sbr.rel @!p0 .LBB2_14-.Ltmp1, $3  }
0x4c: {  	[sflag:s19] =	ssyncset.done $0x0  }
0x4d: {  	[sflag:s19] =	ssyncadd.s32 $0xFFFFC000  }
0x4e: {  	[bflag:$0x0] =	sbarrier.arrive $0xFFFF;
	_ =	sdelay $0x1  }
.LBB2_1:
0x4f: {  	[tilespmem:s18], [sflag:$0xB] =	stream.linear.gather [hbm4b:s8+s3], $0x4000, $0x38;
	[tilespmem:$0x1C400] =	vst v63  }
0x50: {  	_ =	swait.ge [sflag:s19], $0x4000  }
0x51: {  	[sflag:s19] =	ssyncset.done $0x0  }
0x52: {  	[sflag:s19] =	ssyncadd.s32 $0xFFFFC000  }
0x53: {  	[spmem:s9] =	stream.linear.scatter [tilespmem:s18], [sflag:$0xB], $0x4000, $0x38;
	[tilespmem:$0x1C400] =	vst v63  }
0x54: {  	_ =	swait.ge [sflag:s19], $0x4000  }
0x55: {  	[sflag:s19] =	ssyncset.done $0x0  }
0x56: {  	[sflag:s19] =	ssyncadd.s32 $0xFFFFC000  }
0x57: {  	[spmem:s22] =	stream.linear.scatter [tilespmem:s18], [sflag:$0xB], $0x4000, $0x38;
	[tilespmem:$0x1C400] =	vst v63  }
0x58: {  	_ =	swait.ge [sflag:s19], $0x4000  }
0x59: {  	[sflag:s19] =	ssyncset.done $0x0  }
0x5a: {  	[sflag:s19] =	ssyncadd.s32 $0xFFFFC000  }
0x5b: {  	[spmem:s25] =	stream.linear.scatter [tilespmem:s18], [sflag:$0xB], $0x4000, $0x38;
	[tilespmem:$0x1C400] =	vst v63  }
0x5c: {  	_ =	swait.ge [sflag:s19], $0x4000  }
0x5d: {  	[sflag:s19] =	ssyncset.done $0x0  }
0x5e: {  	[sflag:s19] =	ssyncadd.s32 $0xFFFFC000  }
0x5f: {  	[spmem:s26] =	stream.linear.scatter [tilespmem:s18], [sflag:$0xB], $0x4000, $0x38;
	[tilespmem:$0x1C400] =	vst v63  }
0x60: {  	_ =	swait.ge [sflag:s19], $0x4000  }
0x61: {  	[sflag:s19] =	ssyncset.done $0x0  }
0x62: {  	[sflag:s19] =	ssyncadd.s32 $0xFFFFC000  }
0x63: {  	[spmem:s28] =	stream.linear.scatter [tilespmem:s18], [sflag:$0xB], $0x4000, $0x38;
	[tilespmem:$0x1C400] =	vst v63  }
0x64: {  	_ =	swait.ge [sflag:s19], $0x4000  }
0x65: {  	[sflag:s19] =	ssyncset.done $0x0  }
0x66: {  	[sflag:s19] =	ssyncadd.s32 $0xFFFFC000  }
0x67: {  	[bflag:$0x0] =	sbarrier.arrive $0xFFFF  }
0x68: {  	s0 =	rddreg [dreg:$0x3]  }
0x69: {  	[tilespmem:s20], [sflag:$0x3] =	stream.linear.gather [hbm4b:s0+s3], $0x80, $0x38;
	[tilespmem:$0x1C400] =	vst v63  }
0x6a: {  	s30 =	simm.s32 $0x14200  }
0x6b: {  	[tilespmem:s30], [sflag:$0x7] =	stream.linear.gather [hbm4b:s11+s3], $0x80, $0x38;
	[tilespmem:$0x1C400] =	vst v63  }
0x6c: {  	s16 =	simm.s32 $0x14080;
	s31 =	rddreg [dreg:$0x4]  }
0x6d: {  	[tilespmem:s16], [sflag:$0x4] =	stream.linear.gather [hbm4b:s31+s3], $0x80, $0x38;
	[tilespmem:$0x1C400] =	vst v63  }
0x6e: {  	s23 =	simm.s32 $0x14280  }
0x6f: {  	[tilespmem:s23], [sflag:$0x8] =	stream.linear.gather [hbm4b:s15+s3], $0x80, $0x38;
	[tilespmem:$0x1C400] =	vst v63  }
0x70: {  	s24 =	rddreg [dreg:$0x5];
	s30 =	simm.s32 $0x14100  }
0x71: {  	[tilespmem:s30], [sflag:$0x5] =	stream.linear.gather [hbm4b:s24+s3], $0x80, $0x38;
	[tilespmem:$0x1C400] =	vst v63  }
0x72: {  	s31 =	simm.s32 $0x14300  }
0x73: {  	[tilespmem:s31], [sflag:$0x9] =	stream.linear.gather [hbm4b:s17+s3], $0x80, $0x38;
	[tilespmem:$0x1C400] =	vst v63  }
0x74: {  	_ =	swait.ge [sflag:s2], $0x80  }
0x75: {  	[sflag:s2] =	ssyncset.done $0x0  }
.Ltmp2:
0x76: {  	[sflag:s2] =	ssyncadd.s32 $0xFFFFFF80;
	(pc) =	sbr.rel .LBB2_2-.Ltmp2, $4  }
0x77: {  	_ =	swait.ge [sflag:s10], $0x80  }
0x78: {  	[sflag:s10] =	ssyncset.done $0x0  }
0x79: {  	s29 =	simm.s32 $0x0;
	[sflag:s10] =	ssyncadd.s32 $0xFFFFFF80  }
0x7a: {  	[tilespmem:s18], [sflag:$0x1] =	stream.indirect.gather [hbm4b:s4+s21], $0x80, s20, s21, $0xb8;
	[tilespmem:$0x1C400] =	vst v63  }
.LBB2_3:
0x7b: {  	s16 =	sadd.s32 $0x3, s29  }
0x7c: {  	s30 =	sadd.s32 s12, s16  }
0x7d: {  	s31 =	sshll.u32 s30, $0x7  }
0x7e: {  	s16 =	sand.u32 $0x3, s16;
	s31 =	sadd.s32 s5, s31  }
0x7f: {  	s0 =	sshll.u32 s16, $0x7;
	s31 =	sshrl.u32 s31, $0x3  }
0x80: {  	s24 =	sadd.s32 $0x3, s16;
	s23 =	sor.u32 $0x14000, s0;
	s31 =	sadd.s32 s6, s31  }
0x81: {  	[tilespmem:s23], [sflag:s24] =	stream.linear.gather [hbm4b:s31+s3], $0x80, $0x38;
	[tilespmem:$0x1C400] =	vst v63  }
0x82: {  	s31 =	sshll.u32 s30, $0x4  }
0x83: {  	s16 =	sadd.s32 $0x7, s16;
	s0 =	sor.u32 $0x14200, s0;
	s23 =	sadd.s32 s7, s31  }
0x84: {  	[tilespmem:s0], [sflag:s16] =	stream.linear.gather [hbm4b:s23+s3], $0x80, $0x38;
	[tilespmem:$0x1C400] =	vst v63  }
.LBB2_5:
0x85: {  	s16 =	sadd.s32 $0x1, s29  }
0x86: {  	s0 =	sand.u32 $0x3, s16  }
0x87: {  	s23 =	sadd.s32 $0x3, s0  }
0x88: {  	_ =	swait.ge [sflag:s23], $0x80  }
0x89: {  	[sflag:s23] =	ssyncset.done $0x0  }
0x8a: {  	s30 =	sadd.s32 $0x7, s0;
	[sflag:s23] =	ssyncadd.s32 $0xFFFFFF80  }
0x8b: {  	s24 =	sand.u32 $0x1, s16;
	s0 =	sshll.u32 s0, $0x7;
	_ =	swait.ge [sflag:s30], $0x80  }
0x8c: {  	s31 =	sshll.u32 s24, $0xE;
	s24 =	sadd.s32 $0x1, s24;
	[sflag:s30] =	ssyncset.done $0x0  }
0x8d: {  	s0 =	sor.u32 $0x14000, s0;
	s23 =	sadd.s32 $0x14400, s31;
	[sflag:s30] =	ssyncadd.s32 $0xFFFFFF80  }
0x8e: {  	[tilespmem:s23], [sflag:s24] =	stream.indirect.gather [hbm4b:s4+s21], $0x80, s0, s21, $0xb8;
	[tilespmem:$0x1C400] =	vst v63  }
.LBB2_6:
0x8f: {  	s0 =	sand.u32 $0x1, s29  }
0x90: {  	s24 =	sshll.u32 s29, $0x7;
	s23 =	sadd.s32 $0x1, s0  }
0x91: {  	p0 =	slt.u32 s16, $0x50;
	s0 =	sshll.u32 s0, $0xE;
	_ =	swait.ge [sflag:s23], $0x4000  }
0x92: {  	s24 =	sand.u32 $0x180, s24;
	s0 =	sadd.s32 $0x14400, s0;
	[sflag:s23] =	ssyncset.done $0x0  }
.Ltmp3:
0x93: {  	s31 =	sor.u32 $0x14200, s24;
	[sflag:s23] =	ssyncadd.s32 $0xFFFFC000;
	(pc) =	sbr.rel @!p0 .LBB2_7-.Ltmp3, $4  }
0x94: {  	[spmem:s1] =	stream.indirect.scatter.add.f32 [tilespmem:s0], [sflag:$0xB], $0x80, s31, s21, $0xb8;
	[tilespmem:$0x1C400] =	vst v63  }
0x95: {  	_ =	swait.ge [sflag:s19], $0x4000  }
0x96: {  	[sflag:s19] =	ssyncset.done $0x0  }
0x97: {  	s29 =	smov.u32 s16;
	[sflag:s19] =	ssyncadd.s32 $0xFFFFC000  }
.LBB2_2:
0x98: {  	p0 =	sgt.u32 s29, $0x4C  }
.Ltmp4:
0x99: {  	_ = 	snop;
	(pc) =	sbr.rel @!p0 .LBB2_3-.Ltmp4, $1  }
0x9a: {  	_ =	sdelay $0x3  }
0x9b: {  	p0 =	seq.s32 s29, $0x4F  }
.Ltmp5:
0x9c: {  	_ = 	snop;
	(pc) =	sbr.rel @p0 .LBB2_6-.Ltmp5, $4  }
.Ltmp6:
0x9d: {  	_ = 	snop;
	(pc) =	sbr.rel @!p0 .LBB2_5-.Ltmp6, $4  }
0x9e: {  	_ = 	snop  }
0x9f: {  	_ = 	snop  }
0xa0: {  	s16 =	simm.s32 $0x50  }
0xa1: {  	_ = 	snop  }
.LBB2_7:
0xa2: {  	[bflag:$0x0] =	sbarrier.arrive $0xFFFF  }
0xa3: {  	[tilespmem:s18], [sflag:$0xB] =	stream.linear.gather [spmem:s9], $0x4000, $0x38;
	[tilespmem:$0x1C400] =	vst v63  }
0xa4: {  	_ =	swait.ge [sflag:s19], $0x4000  }
0xa5: {  	[sflag:s19] =	ssyncset.done $0x0  }
0xa6: {  	s29 =	simm.s32 $0x0;
	s0 =	rddreg [dreg:$0xa];
	[sflag:s19] =	ssyncadd.s32 $0xFFFFC000  }
0xa7: {  	[hbm4b:s0+s29] =	stream.linear.scatter [tilespmem:s18], [sflag:$0xB], $0x4000, $0x38;
	[tilespmem:$0x1C400] =	vst v63  }
0xa8: {  	_ =	swait.ge [sflag:s19], $0x4000  }
0xa9: {  	[sflag:s19] =	ssyncset.done $0x0  }
0xaa: {  	[sflag:s19] =	ssyncadd.s32 $0xFFFFC000  }
0xab: {  	[tilespmem:s18], [sflag:$0xB] =	stream.linear.gather [spmem:s22], $0x4000, $0x38;
	[tilespmem:$0x1C400] =	vst v63  }
0xac: {  	_ =	swait.ge [sflag:s19], $0x4000  }
0xad: {  	[sflag:s19] =	ssyncset.done $0x0  }
0xae: {  	s30 =	rddreg [dreg:$0xc];
	[sflag:s19] =	ssyncadd.s32 $0xFFFFC000  }
0xaf: {  	[hbm4b:s30+s29] =	stream.linear.scatter [tilespmem:s18], [sflag:$0xB], $0x4000, $0x38;
	[tilespmem:$0x1C400] =	vst v63  }
0xb0: {  	_ =	swait.ge [sflag:s19], $0x4000  }
0xb1: {  	[sflag:s19] =	ssyncset.done $0x0  }
0xb2: {  	[sflag:s19] =	ssyncadd.s32 $0xFFFFC000  }
0xb3: {  	[tilespmem:s18], [sflag:$0xB] =	stream.linear.gather [spmem:s25], $0x4000, $0x38;
	[tilespmem:$0x1C400] =	vst v63  }
0xb4: {  	_ =	swait.ge [sflag:s19], $0x4000  }
0xb5: {  	[sflag:s19] =	ssyncset.done $0x0  }
0xb6: {  	s31 =	rddreg [dreg:$0xd];
	[sflag:s19] =	ssyncadd.s32 $0xFFFFC000  }
0xb7: {  	[hbm4b:s31+s29] =	stream.linear.scatter [tilespmem:s18], [sflag:$0xB], $0x4000, $0x38;
	[tilespmem:$0x1C400] =	vst v63  }
0xb8: {  	_ =	swait.ge [sflag:s19], $0x4000  }
0xb9: {  	[sflag:s19] =	ssyncset.done $0x0  }
0xba: {  	[sflag:s19] =	ssyncadd.s32 $0xFFFFC000  }
0xbb: {  	[tilespmem:s18], [sflag:$0xB] =	stream.linear.gather [spmem:s26], $0x4000, $0x38;
	[tilespmem:$0x1C400] =	vst v63  }
0xbc: {  	_ =	swait.ge [sflag:s19], $0x4000  }
0xbd: {  	[sflag:s19] =	ssyncset.done $0x0  }
0xbe: {  	s16 =	rddreg [dreg:$0xe];
	[sflag:s19] =	ssyncadd.s32 $0xFFFFC000  }
0xbf: {  	[hbm4b:s16+s29] =	stream.linear.scatter [tilespmem:s18], [sflag:$0xB], $0x4000, $0x38;
	[tilespmem:$0x1C400] =	vst v63  }
0xc0: {  	_ =	swait.ge [sflag:s19], $0x4000  }
0xc1: {  	[sflag:s19] =	ssyncset.done $0x0  }
0xc2: {  	[sflag:s19] =	ssyncadd.s32 $0xFFFFC000  }
0xc3: {  	[tilespmem:s18], [sflag:$0xB] =	stream.linear.gather [spmem:s28], $0x4000, $0x38;
	[tilespmem:$0x1C400] =	vst v63  }
0xc4: {  	_ =	swait.ge [sflag:s19], $0x4000  }
0xc5: {  	[sflag:s19] =	ssyncset.done $0x0  }
0xc6: {  	s23 =	rddreg [dreg:$0xf];
	[sflag:s19] =	ssyncadd.s32 $0xFFFFC000  }
0xc7: {  	[hbm4b:s23+s29] =	stream.linear.scatter [tilespmem:s18], [sflag:$0xB], $0x4000, $0x38;
	[tilespmem:$0x1C400] =	vst v63  }
0xc8: {  	_ =	swait.ge [sflag:s19], $0x4000  }
0xc9: {  	[sflag:s19] =	ssyncset.done $0x0  }
0xca: {  	[sflag:s19] =	ssyncadd.s32 $0xFFFFC000  }
0xcb: {  	[bflag:$0x0] =	sbarrier.arrive $0xFFFF  }
0xcc: {  	[tilespmem:s18], [sflag:$0xB] =	stream.linear.gather [hbm4b:s8+s29], $0x4000, $0x38;
	[tilespmem:$0x1C400] =	vst v63  }
0xcd: {  	_ =	swait.ge [sflag:s19], $0x4000  }
0xce: {  	[sflag:s19] =	ssyncset.done $0x0  }
0xcf: {  	[sflag:s19] =	ssyncadd.s32 $0xFFFFC000  }
0xd0: {  	[spmem:s9] =	stream.linear.scatter [tilespmem:s18], [sflag:$0xB], $0x4000, $0x38;
	[tilespmem:$0x1C400] =	vst v63  }
0xd1: {  	_ =	swait.ge [sflag:s19], $0x4000  }
0xd2: {  	[sflag:s19] =	ssyncset.done $0x0  }
0xd3: {  	[sflag:s19] =	ssyncadd.s32 $0xFFFFC000  }
0xd4: {  	[spmem:s22] =	stream.linear.scatter [tilespmem:s18], [sflag:$0xB], $0x4000, $0x38;
	[tilespmem:$0x1C400] =	vst v63  }
0xd5: {  	_ =	swait.ge [sflag:s19], $0x4000  }
0xd6: {  	[sflag:s19] =	ssyncset.done $0x0  }
0xd7: {  	[sflag:s19] =	ssyncadd.s32 $0xFFFFC000  }
0xd8: {  	[spmem:s25] =	stream.linear.scatter [tilespmem:s18], [sflag:$0xB], $0x4000, $0x38;
	[tilespmem:$0x1C400] =	vst v63  }
0xd9: {  	_ =	swait.ge [sflag:s19], $0x4000  }
0xda: {  	[sflag:s19] =	ssyncset.done $0x0  }
0xdb: {  	[sflag:s19] =	ssyncadd.s32 $0xFFFFC000  }
0xdc: {  	[spmem:s26] =	stream.linear.scatter [tilespmem:s18], [sflag:$0xB], $0x4000, $0x38;
	[tilespmem:$0x1C400] =	vst v63  }
0xdd: {  	_ =	swait.ge [sflag:s19], $0x4000  }
0xde: {  	[sflag:s19] =	ssyncset.done $0x0  }
0xdf: {  	[sflag:s19] =	ssyncadd.s32 $0xFFFFC000  }
0xe0: {  	[spmem:s28] =	stream.linear.scatter [tilespmem:s18], [sflag:$0xB], $0x4000, $0x38;
	[tilespmem:$0x1C400] =	vst v63  }
0xe1: {  	_ =	swait.ge [sflag:s19], $0x4000  }
0xe2: {  	[sflag:s19] =	ssyncset.done $0x0  }
0xe3: {  	[sflag:s19] =	ssyncadd.s32 $0xFFFFC000  }
0xe4: {  	[bflag:$0x0] =	sbarrier.arrive $0xFFFF  }
0xe5: {  	s24 =	rddreg [dreg:$0x6]  }
0xe6: {  	[tilespmem:s20], [sflag:$0x3] =	stream.linear.gather [hbm4b:s24+s29], $0x80, $0x38;
	[tilespmem:$0x1C400] =	vst v63  }
0xe7: {  	s30 =	simm.s32 $0x14200  }
0xe8: {  	[tilespmem:s30], [sflag:$0x7] =	stream.linear.gather [hbm4b:s11+s29], $0x80, $0x38;
	[tilespmem:$0x1C400] =	vst v63  }
0xe9: {  	s16 =	simm.s32 $0x14080;
	s31 =	rddreg [dreg:$0x7]  }
0xea: {  	[tilespmem:s16], [sflag:$0x4] =	stream.linear.gather [hbm4b:s31+s29], $0x80, $0x38;
	[tilespmem:$0x1C400] =	vst v63  }
0xeb: {  	s23 =	simm.s32 $0x14280  }
0xec: {  	[tilespmem:s23], [sflag:$0x8] =	stream.linear.gather [hbm4b:s15+s29], $0x80, $0x38;
	[tilespmem:$0x1C400] =	vst v63  }
0xed: {  	s24 =	rddreg [dreg:$0x8];
	s30 =	simm.s32 $0x14100  }
0xee: {  	[tilespmem:s30], [sflag:$0x5] =	stream.linear.gather [hbm4b:s24+s29], $0x80, $0x38;
	[tilespmem:$0x1C400] =	vst v63  }
0xef: {  	s31 =	simm.s32 $0x14300  }
0xf0: {  	[tilespmem:s31], [sflag:$0x9] =	stream.linear.gather [hbm4b:s17+s29], $0x80, $0x38;
	[tilespmem:$0x1C400] =	vst v63  }
0xf1: {  	_ =	swait.ge [sflag:s2], $0x80  }
0xf2: {  	[sflag:s2] =	ssyncset.done $0x0  }
.Ltmp7:
0xf3: {  	[sflag:s2] =	ssyncadd.s32 $0xFFFFFF80;
	(pc) =	sbr.rel .LBB2_8-.Ltmp7, $4  }
0xf4: {  	_ =	swait.ge [sflag:s10], $0x80  }
0xf5: {  	[sflag:s10] =	ssyncset.done $0x0  }
0xf6: {  	[sflag:s10] =	ssyncadd.s32 $0xFFFFFF80  }
0xf7: {  	[tilespmem:s18], [sflag:$0x1] =	stream.indirect.gather [hbm4b:s4+s21], $0x80, s20, s21, $0xb8;
	[tilespmem:$0x1C400] =	vst v63  }
.LBB2_9:
0xf8: {  	s0 =	sadd.s32 $0x3, s29  }
0xf9: {  	s16 =	sadd.s32 s12, s0  }
0xfa: {  	s23 =	sshll.u32 s16, $0x7  }
0xfb: {  	s0 =	sand.u32 $0x3, s0;
	s23 =	sadd.s32 s14, s23  }
0xfc: {  	s24 =	sshll.u32 s0, $0x7;
	s31 =	sadd.s32 $0x3, s0;
	s23 =	sshrl.u32 s23, $0x3  }
0xfd: {  	s16 =	sshll.u32 s16, $0x4;
	s30 =	sor.u32 $0x14000, s24;
	s23 =	sadd.s32 s6, s23  }
0xfe: {  	[tilespmem:s30], [sflag:s31] =	stream.linear.gather [hbm4b:s23+s3], $0x80, $0x38;
	[tilespmem:$0x1C400] =	vst v63  }
0xff: {  	s0 =	sadd.s32 $0x7, s0;
	s16 =	sadd.s32 s7, s16;
	s31 =	sor.u32 $0x14200, s24  }
0x100: {  	[tilespmem:s31], [sflag:s0] =	stream.linear.gather [hbm4b:s16+s3], $0x80, $0x38;
	[tilespmem:$0x1C400] =	vst v63  }
.LBB2_11:
0x101: {  	s16 =	sadd.s32 $0x1, s29  }
0x102: {  	s0 =	sand.u32 $0x3, s16  }
0x103: {  	s23 =	sadd.s32 $0x3, s0  }
0x104: {  	_ =	swait.ge [sflag:s23], $0x80  }
0x105: {  	[sflag:s23] =	ssyncset.done $0x0  }
0x106: {  	s30 =	sadd.s32 $0x7, s0;
	[sflag:s23] =	ssyncadd.s32 $0xFFFFFF80  }
0x107: {  	s24 =	sand.u32 $0x1, s16;
	s0 =	sshll.u32 s0, $0x7;
	_ =	swait.ge [sflag:s30], $0x80  }
0x108: {  	s31 =	sshll.u32 s24, $0xE;
	s24 =	sadd.s32 $0x1, s24;
	[sflag:s30] =	ssyncset.done $0x0  }
0x109: {  	s0 =	sor.u32 $0x14000, s0;
	s23 =	sadd.s32 $0x14400, s31;
	[sflag:s30] =	ssyncadd.s32 $0xFFFFFF80  }
0x10a: {  	[tilespmem:s23], [sflag:s24] =	stream.indirect.gather [hbm4b:s4+s21], $0x80, s0, s21, $0xb8;
	[tilespmem:$0x1C400] =	vst v63  }
.LBB2_12:
0x10b: {  	s0 =	sand.u32 $0x1, s29  }
0x10c: {  	s24 =	sshll.u32 s29, $0x7;
	s23 =	sadd.s32 $0x1, s0  }
0x10d: {  	p0 =	slt.u32 s16, $0x50;
	s0 =	sshll.u32 s0, $0xE;
	_ =	swait.ge [sflag:s23], $0x4000  }
0x10e: {  	s24 =	sand.u32 $0x180, s24;
	s0 =	sadd.s32 $0x14400, s0;
	[sflag:s23] =	ssyncset.done $0x0  }
.Ltmp8:
0x10f: {  	s31 =	sor.u32 $0x14200, s24;
	[sflag:s23] =	ssyncadd.s32 $0xFFFFC000;
	(pc) =	sbr.rel @!p0 .LBB2_13-.Ltmp8, $4  }
0x110: {  	[spmem:s1] =	stream.indirect.scatter.add.f32 [tilespmem:s0], [sflag:$0xB], $0x80, s31, s21, $0xb8;
	[tilespmem:$0x1C400] =	vst v63  }
0x111: {  	_ =	swait.ge [sflag:s19], $0x4000  }
0x112: {  	[sflag:s19] =	ssyncset.done $0x0  }
0x113: {  	s29 =	smov.u32 s16;
	[sflag:s19] =	ssyncadd.s32 $0xFFFFC000  }
.LBB2_8:
0x114: {  	p0 =	sgt.u32 s29, $0x4C  }
.Ltmp9:
0x115: {  	_ = 	snop;
	(pc) =	sbr.rel @!p0 .LBB2_9-.Ltmp9, $1  }
0x116: {  	_ =	sdelay $0x3  }
0x117: {  	p0 =	seq.s32 s29, $0x4F  }
.Ltmp10:
0x118: {  	_ = 	snop;
	(pc) =	sbr.rel @p0 .LBB2_12-.Ltmp10, $4  }
.Ltmp11:
0x119: {  	_ = 	snop;
	(pc) =	sbr.rel @!p0 .LBB2_11-.Ltmp11, $4  }
0x11a: {  	_ = 	snop  }
0x11b: {  	_ = 	snop  }
0x11c: {  	s16 =	simm.s32 $0x50  }
0x11d: {  	_ = 	snop  }
.LBB2_14:
0x11e: {  	_ =	sfence.sel $0x180000  }
0x11f: {  	[bflag:$0x0] =	sbarrier.arrive $0xFFFF  }
0x120: {  	_ =	strace $0x9000004A  }
0x121: {  	s0 =	stileid.u32;
	[bflag:$0x2] =	sbarrier.arrive $0xFFFF  }
0x122: {  	p0 =	sne.s32 s0, $0x0;
	s0 =	rddreg [dreg:$0x2]  }
0x123: {  	s0 =	sadd.s32 @!p0 $0x100000, s0  }
0x124: {  	[sflag:s0] =	ssyncadd.tile.s32 @!p0 $0x1;
	_ =	shalt  }
.Lfunc_end2:
_tile_overlayer_lowered:
.L_overlay_start_2:
0x125: {  	(tag) =	ssettag $0x2  }
0x126: {  	s0 =	rddreg [dreg:$0x0];
	s2 =	stileid.u32  }
0x127: {  	s1 =	rddreg [dreg:$0x1];
	p0 =	sne.s32 s2, $0x0  }
0x128: {  	s3 =	rddreg [dreg:$0x2];
	[bflag:$0x3] =	sbarrier.arrive $0xFFFF;
	s2 =	simm.s32 @!p0 $0x1C0B  }
0x129: {  	[timem:s3], [sflag:s2] =	dma.local @!p0 [hbm:s0], s1  }
0x12a: {  	s0 =	simm.s32 @!p0 $0xB  }
0x12b: {  	_ =	swait.ge @!p0 [sflag:s0], s1  }
0x12c: {  	s1 =	ssub.s32 @!p0 $0x0, s1;
	[sflag:s0] =	ssyncset.done @!p0 $0x0  }
0x12d: {  	[sflag:s0] =	ssyncadd.s32 @!p0 s1  }
0x12e: {  	[bflag:$0x3] =	sbarrier.arrive $0xFFFF  }
0x12f: {  	_ =	shalt  }

</sc_bundles>
